<compile_context>
chip_gen: v7x
topology: tpu7x:2x2x1
jax: 0.10.2.dev20260603
libtpu: 0.0.44.dev20260713+nightly
codegen_flags: <defaults>
</compile_context>

<pallas_src>
import functools

import jax
import jax.numpy as jnp
import numpy as np
from jax import lax
from jax.experimental import pallas as pl
from jax.experimental.pallas import tpu as pltpu
from jax.experimental.pallas import tpu_sc as plsc

B = 16; S = 8; H = 512; E = 128; V = 100000; G = 128; N = 256
EDGE_NUM = 16; FLAG_NUM = 4; L = 50; A = 3; TAU = 0.67


def _gumbel_const():
    gk = jax.random.key(42)
    us = jnp.stack([jax.random.uniform(jax.random.fold_in(gk, a + 1), (B, V),
                                       jnp.float32, 1e-6, 1.0 - 1e-6)
                    for a in range(A)])
    return -jnp.log(-jnp.log(us))


with jax.default_device(jax.devices("cpu")[0]):
    _GUMBEL = np.asarray(_gumbel_const())

TV = 12544
NT = (V + TV - 1) // TV
VP = NT * TV

NEG = -1e9
NEGBIG = -1e30


def _dotT(a, b):
    return lax.dot_general(a, b, (((1,), (1,)), ((), ())),
                           preferred_element_type=jnp.float32)


def _dot(a, b):
    return lax.dot_general(a, b, (((1,), (0,)), ((), ())),
                           preferred_element_type=jnp.float32)



def _sc_gather(node_table, hn_flat, state_flat, know2word, word_embed):
    info = plsc.get_sparse_core_info()
    NC, NS = info.num_cores, info.num_subcores
    NW = NC * NS
    rows_w = (B * N) // NW
    se_rows_w = 8
    mesh = plsc.VectorSubcoreMesh(core_axis_name="c", subcore_axis_name="s")

    @functools.partial(
        pl.kernel, mesh=mesh,
        out_type=(
            jax.ShapeDtypeStruct((B * N, G), jnp.float32),
            jax.ShapeDtypeStruct((B * S, E), jnp.float32),
        ),
        scratch_types=[
            pltpu.VMEM((rows_w,), jnp.int32),
            pltpu.VMEM((rows_w, G), jnp.float32),
            pltpu.VMEM((se_rows_w,), jnp.int32),
            pltpu.VMEM((se_rows_w,), jnp.int32),
            pltpu.VMEM((se_rows_w, E), jnp.float32),
            pltpu.SemaphoreType.DMA,
            pltpu.SemaphoreType.DMA,
        ],
    )
    def k(nt_hbm, hn_hbm, st_hbm, k2w_hbm, we_hbm,
          nodes_out, se_out,
          nidx_v, nrows_v, sidx_v, swv_v, srows_v, sem_n, sem_s):
        wid = lax.axis_index("s") * NC + lax.axis_index("c")
        base = wid * rows_w
        pltpu.sync_copy(hn_hbm.at[pl.ds(base, rows_w)], nidx_v)
        cp_n = pltpu.async_copy(nt_hbm.at[nidx_v], nrows_v, sem_n)

        @pl.when(wid < (B * S) // se_rows_w)
        def _state_path():
            sbase = wid * se_rows_w
            pltpu.sync_copy(st_hbm.at[pl.ds(sbase, se_rows_w)], sidx_v)
            pltpu.async_copy(k2w_hbm.at[sidx_v], swv_v, sem_s).wait()
            pltpu.async_copy(we_hbm.at[swv_v], srows_v, sem_s).wait()
            pltpu.sync_copy(srows_v, se_out.at[pl.ds(sbase, se_rows_w)])

        cp_n.wait()
        pltpu.sync_copy(nrows_v, nodes_out.at[pl.ds(base, rows_w)])

    return k(node_table, hn_flat, state_flat, know2word, word_embed)



def _gat_body(nodes_ref, fb_ref, ft_ref, adj_ref, et_ref, ebt_ref,
              w_ref, a1_ref, a2_ref, out_ref):
    fb = fb_ref[0]
    fiota = lax.broadcasted_iota(jnp.int32, (FLAG_NUM, N), 0)
    oh = (fiota == fb).astype(jnp.float32)
    fl = lax.dot_general(oh, ft_ref[...], (((0,), (0,)), ((), ())),
                         preferred_element_type=jnp.float32)
    nh = nodes_ref[0] + fl
    hw = _dot(nh, w_ref[...])
    e1 = jnp.sum(hw * a1_ref[...], axis=1, keepdims=True)
    e2 = jnp.sum(hw * a2_ref[...], axis=1, keepdims=True)
    et = et_ref[0]
    eb = jnp.zeros((N, N), jnp.float32)
    for kk in range(EDGE_NUM):
        eb = eb + jnp.where(et == kk, ebt_ref[0, kk], 0.0)
    sc = e1 + jnp.reshape(e2, (1, N)) + eb
    sc = jnp.where(sc >= 0.0, sc, 0.2 * sc)
    sc = jnp.where(adj_ref[0] > 0, sc, NEG)
    m = jnp.max(sc, axis=1, keepdims=True)
    ex = jnp.exp(sc - m)
    attn = ex / jnp.sum(ex, axis=1, keepdims=True)
    ne = _dot(attn, hw)
    out_ref[0] = jnp.where(ne > 0.0, ne, jnp.exp(ne) - 1.0)


def _run_gat(nodes, fbit, flag_table, adjacency, edge_type, edge_bias_table,
             gat_W, gat_a1, gat_a2):
    return pl.pallas_call(
        _gat_body,
        grid=(B,),
        in_specs=[
            pl.BlockSpec((1, N, G), lambda b: (b, 0, 0)),
            pl.BlockSpec((1, 1, N), lambda b: (b, 0, 0)),
            pl.BlockSpec((FLAG_NUM, G), lambda b: (0, 0)),
            pl.BlockSpec((1, N, N), lambda b: (b, 0, 0)),
            pl.BlockSpec((1, N, N), lambda b: (b, 0, 0)),
            pl.BlockSpec((1, EDGE_NUM), lambda b: (0, 0)),
            pl.BlockSpec((G, G), lambda b: (0, 0)),
            pl.BlockSpec((1, G), lambda b: (0, 0)),
            pl.BlockSpec((1, G), lambda b: (0, 0)),
        ],
        out_specs=pl.BlockSpec((1, N, G), lambda b: (b, 0, 0)),
        out_shape=jax.ShapeDtypeStruct((B, N, G), jnp.float32),
    )(nodes, fbit, flag_table, adjacency, edge_type, edge_bias_table,
      gat_W, gat_a1, gat_a2)



def _prelude_body(hid_ref, se_ref, wih_ref, whh_ref, bih_ref, bhh_ref,
                  ne_ref, eff_ref, pv_ref, lens_ref, wq_ref, pvq_ref,
                  iwh_ref, iws_ref, iwp_ref, iwg_ref, ib_ref,
                  int_ref):
    hid = hid_ref[...]
    h = jnp.zeros((B, E), jnp.float32)
    for t in range(S):
        x = se_ref[:, t, :]
        gi = _dot(x, wih_ref[...]) + bih_ref[...]
        gh = _dot(h, whh_ref[...]) + bhh_ref[...]
        r = jax.nn.sigmoid(gi[:, :E] + gh[:, :E])
        z = jax.nn.sigmoid(gi[:, E:2 * E] + gh[:, E:2 * E])
        nn_ = jnp.tanh(gi[:, 2 * E:] + r * gh[:, 2 * E:])
        h = (1.0 - z) * nn_ + z * h
    ne = ne_ref[...]
    q = _dot(hid, wq_ref[...])
    s = jnp.sum(q[:, None, :] * ne, axis=2) * (1.0 / (G ** 0.5))
    s = jnp.where(eff_ref[...] > 0, s, NEG)
    m = jnp.max(s, axis=1, keepdims=True)
    ex = jnp.exp(s - m)
    ga = ex / jnp.sum(ex, axis=1, keepdims=True)
    gc = jnp.sum(ga[:, :, None] * ne, axis=1)
    pv = pv_ref[...]
    q2 = _dot(hid, pvq_ref[...])
    s2 = jnp.sum(q2[:, None, :] * pv, axis=2) * (1.0 / (H ** 0.5))
    lens = jnp.clip(lens_ref[...], 1, L)
    pos = lax.broadcasted_iota(jnp.int32, (B, L), 1)
    s2 = jnp.where(pos < lens, s2, NEG)
    m2 = jnp.max(s2, axis=1, keepdims=True)
    ex2 = jnp.exp(s2 - m2)
    pa = ex2 / jnp.sum(ex2, axis=1, keepdims=True)
    pv_ctx = jnp.sum(pa[:, :, None] * pv, axis=1)
    int_ref[...] = (_dot(hid, iwh_ref[...]) + _dot(h, iws_ref[...])
                    + _dot(pv_ctx, iwp_ref[...]) + _dot(gc, iwg_ref[...])
                    + ib_ref[...])


def _h2_body(hid_ref, gth_ref, htw_ref, htb_ref, h2_ref):
    cat = jnp.concatenate([hid_ref[...], gth_ref[...]], axis=1)
    h2_ref[...] = jnp.tanh(_dot(cat, htw_ref[...]) + htb_ref[...])


def _run_h2(hid, gth, htw, htb):
    full = lambda shp: pl.BlockSpec(shp, lambda: tuple(0 for _ in shp))
    return pl.pallas_call(
        _h2_body,
        in_specs=[full((B, H)), full((B, 4)), full((H + 4, H)), full((1, H))],
        out_specs=full((B, H)),
        out_shape=jax.ShapeDtypeStruct((B, H), jnp.float32),
    )(hid, gth, htw, htb)


def _run_prelude(hid, se, wih, whh, bih, bhh, ne, eff, pv, lens, wq, pvq,
                 iwh, iws, iwp, iwg, ib):
    full = lambda shp: pl.BlockSpec(shp, lambda: tuple(0 for _ in shp))
    return pl.pallas_call(
        _prelude_body,
        in_specs=[
            full((B, H)), full((B, S, E)), full((E, 3 * E)), full((E, 3 * E)),
            full((1, 3 * E)), full((1, 3 * E)), full((B, N, G)), full((B, N)),
            full((B, L, H)), full((B, 1)), full((H, G)), full((H, H)),
            full((H, 4)), full((E, 4)), full((H, 4)), full((G, 4)),
            full((1, 4)),
        ],
        out_specs=full((B, 4)),
        out_shape=jax.ShapeDtypeStruct((B, 4), jnp.float32),
    )(hid, se, wih, whh, bih, bhh, ne, eff, pv, lens, wq, pvq,
      iwh, iws, iwp, iwg, ib)



def _policy_body(h2_ref, k_ref, u_ref, w_ref, bh_ref,
                 sraw_ref, norm_ref, act_ref, h2o_ref,
                 m_s, z_s, acc_s, bv_s, bi_s):
    t = pl.program_id(0)

    @pl.when(t == 0)
    def _init():
        m_s[...] = jnp.full((B, 1), NEGBIG, jnp.float32)
        z_s[...] = jnp.zeros((B, 1), jnp.float32)
        acc_s[...] = jnp.zeros((B, H), jnp.float32)
        bv_s[...] = jnp.full((B, 1), NEGBIG, jnp.float32)
        bi_s[...] = jnp.zeros((B, 1), jnp.int32)

    bound = V - t * TV
    rowid = lax.broadcasted_iota(jnp.int32, (TV, E), 0)
    kt = jnp.where(rowid < bound, k_ref[...], 0.0)
    kp_t = _dot(kt, w_ref[...]) + bh_ref[...]
    lt = _dotT(h2_ref[...], kp_t)
    colid = lax.broadcasted_iota(jnp.int32, (B, TV), 1)
    valid = colid < bound
    s = jnp.where(valid, (lt + u_ref[...]) * (1.0 / TAU), NEGBIG)
    sraw_ref[...] = s
    mt = jnp.max(s, axis=1, keepdims=True)
    mnew = jnp.maximum(m_s[...], mt)
    scale = jnp.exp(m_s[...] - mnew)
    p = jnp.exp(s - mnew)
    z_s[...] = z_s[...] * scale + jnp.sum(p, axis=1, keepdims=True)
    acc_s[...] = acc_s[...] * scale + _dot(p, kp_t)
    m_s[...] = mnew
    ltm = jnp.where(valid, lt, NEGBIG)
    tvmax = jnp.max(ltm, axis=1, keepdims=True)
    cand = jnp.where(ltm == tvmax, colid, jnp.int32(2**31 - 1))
    tvarg = jnp.min(cand, axis=1, keepdims=True)
    upd = tvmax > bv_s[...]
    bi_s[...] = jnp.where(upd, t * TV + tvarg, bi_s[...])
    bv_s[...] = jnp.where(upd, tvmax, bv_s[...])

    @pl.when(t == NT - 1)
    def _fin():
        norm_ref[...] = m_s[...] + jnp.log(z_s[...])
        act_ref[...] = bi_s[...]
        h2o_ref[...] = jnp.tanh(h2_ref[...] + acc_s[...] / z_s[...])


def _run_policy_step(h2, K, u, W, bh):
    return pl.pallas_call(
        _policy_body,
        grid=(NT,),
        in_specs=[
            pl.BlockSpec((B, H), lambda t: (0, 0)),
            pl.BlockSpec((TV, E), lambda t: (t, 0)),
            pl.BlockSpec((B, TV), lambda t: (0, t)),
            pl.BlockSpec((E, H), lambda t: (0, 0)),
            pl.BlockSpec((1, H), lambda t: (0, 0)),
        ],
        out_specs=[
            pl.BlockSpec((B, TV), lambda t: (0, t)),
            pl.BlockSpec((B, 1), lambda t: (0, 0)),
            pl.BlockSpec((B, 1), lambda t: (0, 0)),
            pl.BlockSpec((B, H), lambda t: (0, 0)),
        ],
        out_shape=[
            jax.ShapeDtypeStruct((B, VP), jnp.float32),
            jax.ShapeDtypeStruct((B, 1), jnp.float32),
            jax.ShapeDtypeStruct((B, 1), jnp.int32),
            jax.ShapeDtypeStruct((B, H), jnp.float32),
        ],
        scratch_shapes=[
            pltpu.VMEM((B, 1), jnp.float32),
            pltpu.VMEM((B, 1), jnp.float32),
            pltpu.VMEM((B, H), jnp.float32),
            pltpu.VMEM((B, 1), jnp.float32),
            pltpu.VMEM((B, 1), jnp.int32),
        ],
    )(h2, K, u, W, bh)


def _norm_body(sraw_ref, norm_ref, out_ref):
    out_ref[...] = jnp.exp(sraw_ref[...] - norm_ref[...])


def _run_normalize(sraw, norm):
    return pl.pallas_call(
        _norm_body,
        grid=(NT,),
        in_specs=[
            pl.BlockSpec((B, TV), lambda t: (0, t)),
            pl.BlockSpec((B, 1), lambda t: (0, 0)),
        ],
        out_specs=pl.BlockSpec((B, TV), lambda t: (0, t)),
        out_shape=jax.ShapeDtypeStruct((B, V), jnp.float32),
    )(sraw, norm)



def kernel(hidden, state, gth_intention, pv_r_u_enc, pv_r_u_len, adjacency,
           head_nodes, node_efficient, head_flag_bit, edge_type_matrix,
           know2word, word_embed, gru_Wih, gru_Whh, gru_bih, gru_bhh,
           node_table, edge_bias_table, flag_table, gat_W, gat_a1, gat_a2,
           graph_attn_Wq, pvq_W, intent_W, intent_b, hidden_type_W,
           hidden_type_b, embed2hidden_W, embed2hidden_b, know_embed_out):
    hid = hidden[0]

    nodes_flat, se_flat = _sc_gather(
        node_table, jnp.reshape(head_nodes, (B * N,)),
        jnp.reshape(state, (B * S,)), know2word, word_embed)
    nodes = jnp.reshape(nodes_flat, (B, N, G))
    state_embed = jnp.reshape(se_flat, (B, S, E))

    node_embedding = _run_gat(nodes, jnp.reshape(head_flag_bit, (B, 1, N)),
                              flag_table, adjacency, edge_type_matrix,
                              jnp.reshape(edge_bias_table, (1, EDGE_NUM)),
                              gat_W, jnp.reshape(gat_a1, (1, G)),
                              jnp.reshape(gat_a2, (1, G)))

    intention = _run_prelude(
        hid, state_embed, gru_Wih, gru_Whh,
        jnp.reshape(gru_bih, (1, 3 * E)), jnp.reshape(gru_bhh, (1, 3 * E)),
        node_embedding, node_efficient, pv_r_u_enc,
        jnp.reshape(pv_r_u_len, (B, 1)).astype(jnp.int32),
        graph_attn_Wq, pvq_W,
        intent_W[:H], intent_W[H:H + E], intent_W[H + E:2 * H + E],
        intent_W[2 * H + E:], jnp.reshape(intent_b, (1, 4)))

    h2 = _run_h2(hid, gth_intention, hidden_type_W,
                 jnp.reshape(hidden_type_b, (1, H)))

    gnoise = jnp.asarray(_GUMBEL)

    acts, gums = [], []
    for a in range(A):
        sraw, norm, act, h2 = _run_policy_step(
            h2, know_embed_out, gnoise[a], embed2hidden_W,
            jnp.reshape(embed2hidden_b, (1, H)))
        acts.append(act[:, 0])
        gums.append(_run_normalize(sraw, norm))
    action = jnp.stack(acts, 1)
    gumbel_action = jnp.stack(gums, 1)
    return (intention, action, gumbel_action)

# --- scband reference (transcript-rebuilt; emitter-appended) ---
"""Pipeline reference for scband-prior-policy-network-20212116095176 (READ-ONLY COPY).

The authoritative reference and input builder live on the scoring server;
editing this copy changes nothing except your own understanding.
"""

import jax, jax.numpy as jnp
import numpy as np

B = 16; S = 8; H = 512; E = 128; V = 100000; WV = 120000; G = 128; N = 256
NODE_NUM = 50000; EDGE_NUM = 16; FLAG_NUM = 4; L = 50; A = 3; TAU = 0.67


def setup_inputs(seed: int = 0) -> dict:
    key = jax.random.key(seed)
    ks = jax.random.split(key, 32)
    sc = lambda k, shp: jax.random.normal(k, shp, jnp.float32) * 0.02
    inp = {}
    inp['hidden'] = jax.random.normal(ks[0], (1, B, H), jnp.float32)
    inp['state'] = jax.random.randint(ks[1], (B, S), 0, V)
    inp['gth_intention'] = jax.random.uniform(ks[2], (B, 4), jnp.float32)
    inp['pv_r_u_enc'] = jax.random.normal(ks[3], (B, L, H), jnp.float32)
    inp['pv_r_u_len'] = jax.random.randint(ks[4], (B,), 0, L)
    inp['adjacency'] = jax.random.randint(ks[5], (B, N, N), 0, 2)
    inp['head_nodes'] = jax.random.randint(ks[6], (B, N), 0, NODE_NUM)
    inp['node_efficient'] = jax.random.randint(ks[7], (B, N), 0, 2)
    inp['head_flag_bit'] = jax.random.randint(ks[8], (B, N), 0, FLAG_NUM)
    inp['edge_type_matrix'] = jax.random.randint(ks[9], (B, N, N), 0, EDGE_NUM)
    inp['know2word'] = jax.random.randint(ks[10], (V,), 0, WV)
    inp['word_embed'] = sc(ks[11], (WV, E))
    inp['gru_Wih'] = sc(ks[12], (E, 3 * E))
    inp['gru_Whh'] = sc(ks[13], (E, 3 * E))
    inp['gru_bih'] = jnp.zeros((3 * E,), jnp.float32)
    inp['gru_bhh'] = jnp.zeros((3 * E,), jnp.float32)
    inp['node_table'] = sc(ks[14], (NODE_NUM, G))
    inp['edge_bias_table'] = sc(ks[15], (EDGE_NUM,))
    inp['flag_table'] = sc(ks[16], (FLAG_NUM, G))
    inp['gat_W'] = sc(ks[17], (G, G))
    inp['gat_a1'] = sc(ks[18], (G,))
    inp['gat_a2'] = sc(ks[19], (G,))
    inp['graph_attn_Wq'] = sc(ks[20], (H, G))
    inp['pvq_W'] = sc(ks[21], (H, H))
    inp['intent_W'] = sc(ks[22], (H + E + H + G, 4))
    inp['intent_b'] = jnp.zeros((4,), jnp.float32)
    inp['hidden_type_W'] = sc(ks[23], (H + 4, H))
    inp['hidden_type_b'] = jnp.zeros((H,), jnp.float32)
    inp['embed2hidden_W'] = sc(ks[24], (E, H))
    inp['embed2hidden_b'] = jnp.zeros((H,), jnp.float32)
    inp['know_embed_out'] = sc(ks[25], (V, E))
    return inp


def reference(hidden, state, gth_intention, pv_r_u_enc, pv_r_u_len, adjacency, head_nodes,
              node_efficient, head_flag_bit, edge_type_matrix, know2word, word_embed,
              gru_Wih, gru_Whh, gru_bih, gru_bhh, node_table, edge_bias_table, flag_table,
              gat_W, gat_a1, gat_a2, graph_attn_Wq, pvq_W, intent_W, intent_b,
              hidden_type_W, hidden_type_b, embed2hidden_W, embed2hidden_b, know_embed_out):
    # loc2glo + embedder
    state_word = know2word[state]
    state_embed = word_embed[state_word]  # [B,S,E]
    # stepwise GRU encoding (rnn_enc_cell called per position, hidden carried)
    h = jnp.zeros((B, E), jnp.float32)
    outs = []
    for t in range(S):
        x = state_embed[:, t, :]
        gi = x @ gru_Wih + gru_bih
        gh = h @ gru_Whh + gru_bhh
        r = jax.nn.sigmoid(gi[:, :E] + gh[:, :E])
        z = jax.nn.sigmoid(gi[:, E:2 * E] + gh[:, E:2 * E])
        n = jnp.tanh(gi[:, 2 * E:] + r * gh[:, 2 * E:])
        h = (1.0 - z) * n + z * h
        outs.append(h)
    state_enc = jnp.stack(outs, 1)  # [B,S,E]
    # MyGAT over per-dialog subgraph
    node_h = node_table[head_nodes] + flag_table[head_flag_bit]  # [B,N,G]
    hw = node_h @ gat_W
    e1 = hw @ gat_a1
    e2 = hw @ gat_a2
    scores = e1[:, :, None] + e2[:, None, :] + edge_bias_table[edge_type_matrix]
    scores = jax.nn.leaky_relu(scores, 0.2)
    scores = jnp.where(adjacency > 0, scores, -1e9)
    attn = jax.nn.softmax(scores, -1)
    node_embedding = jax.nn.elu(jnp.einsum('bij,bjg->big', attn, hw))  # [B,N,G]
    # GraphAttn: hidden attends over node embeddings
    hid = hidden[0]  # [B,H]
    q = hid @ graph_attn_Wq
    s = jnp.einsum('bg,bng->bn', q, node_embedding) / jnp.sqrt(float(G))
    s = jnp.where(node_efficient > 0, s, -1e9)
    ga = jax.nn.softmax(s, -1)
    graph_context = jnp.einsum('bn,bng->bg', ga, node_embedding)
    # hidden_attn over pv_r_u_enc with length mask
    q2 = hid @ pvq_W
    s2 = jnp.einsum('bh,blh->bl', q2, pv_r_u_enc) / jnp.sqrt(float(H))
    lens = jnp.clip(pv_r_u_len, 1, L)
    lmask = jnp.arange(L)[None, :] < lens[:, None]
    s2 = jnp.where(lmask, s2, -1e9)
    pa = jax.nn.softmax(s2, -1)
    pv_ctx = jnp.einsum('bl,blh->bh', pa, pv_r_u_enc)
    # intention detector
    feats = jnp.concatenate([hid, state_enc[:, -1, :], pv_ctx, graph_context], -1)
    intention = feats @ intent_W + intent_b  # [B,4]
    gk = jax.random.key(42)
    u = jax.random.uniform(gk, (B, 4), jnp.float32, 1e-6, 1.0 - 1e-6)
    gnoise = -jnp.log(-jnp.log(u))
    gumbel_intention = jax.nn.softmax((jax.nn.log_softmax(intention, -1) + gnoise) / TAU, -1)
    _ = gumbel_intention  # gth_intention provided, gumbel path kept faithful
    hidden2 = jnp.tanh(jnp.concatenate([hid, gth_intention], -1) @ hidden_type_W + hidden_type_b)
    # basic policy network: A autoregressive actions over know vocab
    know_proj = know_embed_out @ embed2hidden_W + embed2hidden_b  # [V,H]
    actions = []
    gums = []
    for a in range(A):
        logits = hidden2 @ know_proj.T  # [B,V]
        ua = jax.random.uniform(jax.random.fold_in(gk, a + 1), (B, V), jnp.float32, 1e-6, 1.0 - 1e-6)
        ga_soft = jax.nn.softmax((jax.nn.log_softmax(logits, -1) - jnp.log(-jnp.log(ua))) / TAU, -1)
        actions.append(jnp.argmax(logits, -1))
        gums.append(ga_soft)
        hidden2 = jnp.tanh(hidden2 + ga_soft @ know_proj)
    action = jnp.stack(actions, 1)
    gumbel_action = jnp.stack(gums, 1)
    return (intention, action, gumbel_action)

if __name__ == "__main__":
    import jax
    _d = setup_inputs()
    print(jax.jit(kernel)(*tuple(_d.values())))

</pallas_src>

<mosaic_0001>
#map = affine_map<(d0, d1) -> (0, 0)>
#map1 = affine_map<(d0, d1) -> (0)>
module attributes {stable_mosaic.version = 14 : i64} {
  func.func @k(%arg0: i32, %arg1: i32, %arg2: memref<50000x128xf32, #tpu.memory_space<hbm>>, %arg3: memref<4096xi32, #tpu.memory_space<hbm>>, %arg4: memref<128xi32, #tpu.memory_space<hbm>>, %arg5: memref<100000xi32, #tpu.memory_space<hbm>>, %arg6: memref<120000x128xf32, #tpu.memory_space<hbm>>, %arg7: memref<4096x128xf32, #tpu.memory_space<hbm>>, %arg8: memref<128x128xf32, #tpu.memory_space<hbm>>, %arg9: memref<128xi32, #tpu.memory_space<vmem>>, %arg10: memref<128x128xf32, #tpu.memory_space<vmem>>, %arg11: memref<8xi32, #tpu.memory_space<vmem>>, %arg12: memref<8xi32, #tpu.memory_space<vmem>>, %arg13: memref<8x128xf32, #tpu.memory_space<vmem>>, %arg14: memref<!tpu.dma_semaphore, #tpu.memory_space<semaphore_mem>>, %arg15: memref<!tpu.dma_semaphore, #tpu.memory_space<semaphore_mem>>) attributes {dimension_semantics = [#tpu.dimension_semantics<core_parallel>, #tpu.dimension_semantics<subcore_parallel>], iteration_bounds = array<i64: 2, 16>, scalar_prefetch = 0 : i64, scratch_operands = 7 : i64, tpu.core_type = #tpu.core_type<sc_vector_subcore>, window_params = [{transform_indices = #map}, {transform_indices = #map1}, {transform_indices = #map1}, {transform_indices = #map1}, {transform_indices = #map}, {transform_indices = #map}, {transform_indices = #map}]} {
    %mul3A = arith.constant 2 : i32
    %mul3A_0 = arith.muli %arg1, %mul3A : i32
    %add3A = arith.addi %mul3A_0, %arg0 : i32
    %mul3A_1 = arith.constant 128 : i32
    %mul3A_2 = arith.muli %add3A, %mul3A_1 : i32
    "tpu.region"() ({
      %run_scoped3A = tpu.sem_alloc : memref<!tpu.dma_semaphore, #tpu.memory_space<semaphore_mem>>
      %dma_start3A_9 = tpu.memref_slice %arg3[%mul3A_2] : memref<4096xi32, #tpu.memory_space<hbm>> -> memref<128xi32, #tpu.memory_space<hbm>>
      %dma_start3A_10 = tpu.memref_slice %arg3[%mul3A_2] : memref<4096xi32, #tpu.memory_space<hbm>> -> memref<128xi32, #tpu.memory_space<hbm>>
      tpu.enqueue_dma source(%dma_start3A_10 : memref<128xi32, #tpu.memory_space<hbm>>) target(%arg9 : memref<128xi32, #tpu.memory_space<vmem>>) target_semaphore(%run_scoped3A : memref<!tpu.dma_semaphore, #tpu.memory_space<semaphore_mem>>)
      %dma_wait3A_11 = tpu.memref_slice %arg3[%mul3A_2] : memref<4096xi32, #tpu.memory_space<hbm>> -> memref<128xi32, #tpu.memory_space<hbm>>
      %dma_wait3A_12 = tpu.memref_slice %arg3[%mul3A_2] : memref<4096xi32, #tpu.memory_space<hbm>> -> memref<128xi32, #tpu.memory_space<hbm>>
      tpu.wait_dma2 semaphore(%run_scoped3A : memref<!tpu.dma_semaphore, #tpu.memory_space<semaphore_mem>>) src(%dma_wait3A_12 : memref<128xi32, #tpu.memory_space<hbm>>) dst(%arg9 : memref<128xi32, #tpu.memory_space<vmem>>)
      tpu.yield
    }) : () -> ()
    %dma_start3A = arith.constant 0 : i32
    %dma_start3A_3 = arith.constant 0 : i32
    %dma_start3A_4 = tpu.memref_slice %arg2[%dma_start3A, %dma_start3A_3] : memref<50000x128xf32, #tpu.memory_space<hbm>> -> memref<50000x128xf32, #tpu.memory_space<hbm>>
    tpu.enqueue_indirect_dma source(%dma_start3A_4 : memref<50000x128xf32, #tpu.memory_space<hbm>>) target(%arg10 : memref<128x128xf32, #tpu.memory_space<vmem>>) offsets(%arg9 : memref<128xi32, #tpu.memory_space<vmem>>) semaphore(%arg14 : memref<!tpu.dma_semaphore, #tpu.memory_space<semaphore_mem>>)
    %lt3A = arith.constant 16 : i32
    %lt3A_5 = arith.cmpi slt, %add3A, %lt3A : i32
    %convert_element_type3A = arith.extui %lt3A_5 : i1 to i32
    %cond3A = arith.constant 0 : i32
    %cond3A_6 = arith.cmpi ne, %convert_element_type3A, %cond3A : i32
    scf.if %cond3A_6 {
      %mul3A_9 = arith.constant 8 : i32
      %mul3A_10 = arith.muli %add3A, %mul3A_9 : i32
      "tpu.region"() ({
        %run_scoped3A = tpu.sem_alloc : memref<!tpu.dma_semaphore, #tpu.memory_space<semaphore_mem>>
        %dma_start3A_21 = tpu.memref_slice %arg4[%mul3A_10] : memref<128xi32, #tpu.memory_space<hbm>> -> memref<8xi32, #tpu.memory_space<hbm>>
        %dma_start3A_22 = tpu.memref_slice %arg4[%mul3A_10] : memref<128xi32, #tpu.memory_space<hbm>> -> memref<8xi32, #tpu.memory_space<hbm>>
        tpu.enqueue_dma source(%dma_start3A_22 : memref<8xi32, #tpu.memory_space<hbm>>) target(%arg11 : memref<8xi32, #tpu.memory_space<vmem>>) target_semaphore(%run_scoped3A : memref<!tpu.dma_semaphore, #tpu.memory_space<semaphore_mem>>)
        %dma_wait3A_23 = tpu.memref_slice %arg4[%mul3A_10] : memref<128xi32, #tpu.memory_space<hbm>> -> memref<8xi32, #tpu.memory_space<hbm>>
        %dma_wait3A_24 = tpu.memref_slice %arg4[%mul3A_10] : memref<128xi32, #tpu.memory_space<hbm>> -> memref<8xi32, #tpu.memory_space<hbm>>
        tpu.wait_dma2 semaphore(%run_scoped3A : memref<!tpu.dma_semaphore, #tpu.memory_space<semaphore_mem>>) src(%dma_wait3A_24 : memref<8xi32, #tpu.memory_space<hbm>>) dst(%arg11 : memref<8xi32, #tpu.memory_space<vmem>>)
        tpu.yield
      }) : () -> ()
      %dma_start3A_11 = arith.constant 0 : i32
      %dma_start3A_12 = tpu.memref_slice %arg5[%dma_start3A_11] : memref<100000xi32, #tpu.memory_space<hbm>> -> memref<100000xi32, #tpu.memory_space<hbm>>
      tpu.enqueue_indirect_dma source(%dma_start3A_12 : memref<100000xi32, #tpu.memory_space<hbm>>) target(%arg12 : memref<8xi32, #tpu.memory_space<vmem>>) offsets(%arg11 : memref<8xi32, #tpu.memory_space<vmem>>) semaphore(%arg15 : memref<!tpu.dma_semaphore, #tpu.memory_space<semaphore_mem>>)
      %dma_wait3A_13 = arith.constant 0 : i32
      %dma_wait3A_14 = tpu.memref_slice %arg5[%dma_wait3A_13] : memref<100000xi32, #tpu.memory_space<hbm>> -> memref<100000xi32, #tpu.memory_space<hbm>>
      tpu.wait_indirect_dma semaphore(%arg15 : memref<!tpu.dma_semaphore, #tpu.memory_space<semaphore_mem>>) src(%dma_wait3A_14 : memref<100000xi32, #tpu.memory_space<hbm>>) dst(%arg12 : memref<8xi32, #tpu.memory_space<vmem>>)
      %dma_start3A_15 = arith.constant 0 : i32
      %dma_start3A_16 = arith.constant 0 : i32
      %dma_start3A_17 = tpu.memref_slice %arg6[%dma_start3A_15, %dma_start3A_16] : memref<120000x128xf32, #tpu.memory_space<hbm>> -> memref<120000x128xf32, #tpu.memory_space<hbm>>
      tpu.enqueue_indirect_dma source(%dma_start3A_17 : memref<120000x128xf32, #tpu.memory_space<hbm>>) target(%arg13 : memref<8x128xf32, #tpu.memory_space<vmem>>) offsets(%arg12 : memref<8xi32, #tpu.memory_space<vmem>>) semaphore(%arg15 : memref<!tpu.dma_semaphore, #tpu.memory_space<semaphore_mem>>)
      %dma_wait3A_18 = arith.constant 0 : i32
      %dma_wait3A_19 = arith.constant 0 : i32
      %dma_wait3A_20 = tpu.memref_slice %arg6[%dma_wait3A_18, %dma_wait3A_19] : memref<120000x128xf32, #tpu.memory_space<hbm>> -> memref<120000x128xf32, #tpu.memory_space<hbm>>
      tpu.wait_indirect_dma semaphore(%arg15 : memref<!tpu.dma_semaphore, #tpu.memory_space<semaphore_mem>>) src(%dma_wait3A_20 : memref<120000x128xf32, #tpu.memory_space<hbm>>) dst(%arg13 : memref<8x128xf32, #tpu.memory_space<vmem>>)
      "tpu.region"() ({
        %run_scoped3A = tpu.sem_alloc : memref<!tpu.dma_semaphore, #tpu.memory_space<semaphore_mem>>
        %dma_start3A_21 = arith.constant 0 : i32
        %dma_start3A_22 = tpu.memref_slice %arg8[%mul3A_10, %dma_start3A_21] : memref<128x128xf32, #tpu.memory_space<hbm>> -> memref<8x128xf32, #tpu.memory_space<hbm>>
        %dma_start3A_23 = arith.constant 0 : i32
        %dma_start3A_24 = tpu.memref_slice %arg8[%mul3A_10, %dma_start3A_23] : memref<128x128xf32, #tpu.memory_space<hbm>> -> memref<8x128xf32, #tpu.memory_space<hbm>>
        tpu.enqueue_dma source(%arg13 : memref<8x128xf32, #tpu.memory_space<vmem>>) target(%dma_start3A_24 : memref<8x128xf32, #tpu.memory_space<hbm>>) target_semaphore(%run_scoped3A : memref<!tpu.dma_semaphore, #tpu.memory_space<semaphore_mem>>)
        %dma_wait3A_25 = arith.constant 0 : i32
        %dma_wait3A_26 = tpu.memref_slice %arg8[%mul3A_10, %dma_wait3A_25] : memref<128x128xf32, #tpu.memory_space<hbm>> -> memref<8x128xf32, #tpu.memory_space<hbm>>
        %dma_wait3A_27 = arith.constant 0 : i32
        %dma_wait3A_28 = tpu.memref_slice %arg8[%mul3A_10, %dma_wait3A_27] : memref<128x128xf32, #tpu.memory_space<hbm>> -> memref<8x128xf32, #tpu.memory_space<hbm>>
        tpu.wait_dma2 semaphore(%run_scoped3A : memref<!tpu.dma_semaphore, #tpu.memory_space<semaphore_mem>>) src(%arg13 : memref<8x128xf32, #tpu.memory_space<vmem>>) dst(%dma_wait3A_28 : memref<8x128xf32, #tpu.memory_space<hbm>>)
        tpu.yield
      }) : () -> ()
    } else {
    }
    %dma_wait3A = arith.constant 0 : i32
    %dma_wait3A_7 = arith.constant 0 : i32
    %dma_wait3A_8 = tpu.memref_slice %arg2[%dma_wait3A, %dma_wait3A_7] : memref<50000x128xf32, #tpu.memory_space<hbm>> -> memref<50000x128xf32, #tpu.memory_space<hbm>>
    tpu.wait_indirect_dma semaphore(%arg14 : memref<!tpu.dma_semaphore, #tpu.memory_space<semaphore_mem>>) src(%dma_wait3A_8 : memref<50000x128xf32, #tpu.memory_space<hbm>>) dst(%arg10 : memref<128x128xf32, #tpu.memory_space<vmem>>)
    "tpu.region"() ({
      %run_scoped3A = tpu.sem_alloc : memref<!tpu.dma_semaphore, #tpu.memory_space<semaphore_mem>>
      %dma_start3A_9 = arith.constant 0 : i32
      %dma_start3A_10 = tpu.memref_slice %arg7[%mul3A_2, %dma_start3A_9] : memref<4096x128xf32, #tpu.memory_space<hbm>> -> memref<128x128xf32, #tpu.memory_space<hbm>>
      %dma_start3A_11 = arith.constant 0 : i32
      %dma_start3A_12 = tpu.memref_slice %arg7[%mul3A_2, %dma_start3A_11] : memref<4096x128xf32, #tpu.memory_space<hbm>> -> memref<128x128xf32, #tpu.memory_space<hbm>>
      tpu.enqueue_dma source(%arg10 : memref<128x128xf32, #tpu.memory_space<vmem>>) target(%dma_start3A_12 : memref<128x128xf32, #tpu.memory_space<hbm>>) target_semaphore(%run_scoped3A : memref<!tpu.dma_semaphore, #tpu.memory_space<semaphore_mem>>)
      %dma_wait3A_13 = arith.constant 0 : i32
      %dma_wait3A_14 = tpu.memref_slice %arg7[%mul3A_2, %dma_wait3A_13] : memref<4096x128xf32, #tpu.memory_space<hbm>> -> memref<128x128xf32, #tpu.memory_space<hbm>>
      %dma_wait3A_15 = arith.constant 0 : i32
      %dma_wait3A_16 = tpu.memref_slice %arg7[%mul3A_2, %dma_wait3A_15] : memref<4096x128xf32, #tpu.memory_space<hbm>> -> memref<128x128xf32, #tpu.memory_space<hbm>>
      tpu.wait_dma2 semaphore(%run_scoped3A : memref<!tpu.dma_semaphore, #tpu.memory_space<semaphore_mem>>) src(%arg10 : memref<128x128xf32, #tpu.memory_space<vmem>>) dst(%dma_wait3A_16 : memref<128x128xf32, #tpu.memory_space<hbm>>)
      tpu.yield
    }) : () -> ()
    return
  }
}

module attributes {stable_mosaic.version = 14 : i64} {
  func.func @_policy_body(%arg0: i32, %arg1: memref<16x512xf32, #tpu.memory_space<vmem>>, %arg2: memref<12544x128xf32, #tpu.memory_space<vmem>>, %arg3: memref<16x12544xf32, #tpu.memory_space<vmem>>, %arg4: memref<128x512xf32, #tpu.memory_space<vmem>>, %arg5: memref<1x512xf32, #tpu.memory_space<vmem>>, %arg6: memref<16x12544xf32, #tpu.memory_space<vmem>>, %arg7: memref<16x1xf32, #tpu.memory_space<vmem>>, %arg8: memref<16x1xi32, #tpu.memory_space<vmem>>, %arg9: memref<16x512xf32, #tpu.memory_space<vmem>>, %arg10: memref<16x1xf32, #tpu.memory_space<vmem>>, %arg11: memref<16x1xf32, #tpu.memory_space<vmem>>, %arg12: memref<16x512xf32, #tpu.memory_space<vmem>>, %arg13: memref<16x1xf32, #tpu.memory_space<vmem>>, %arg14: memref<16x1xi32, #tpu.memory_space<vmem>>) attributes {dimension_semantics = [#tpu.dimension_semantics<arbitrary>], iteration_bounds = array<i64: 8>, scalar_prefetch = 0 : i64, scratch_operands = 5 : i64, tpu.core_type = #tpu.core_type<tc>, window_params = [{pipeline_mode = #tpu.pipeline_mode<synchronous>, transform_indices = @transform_0, window_bounds = array<i64: 16, 512>}, {transform_indices = @transform_1, window_bounds = array<i64: 12544, 128>}, {transform_indices = @transform_2, window_bounds = array<i64: 16, 12544>}, {pipeline_mode = #tpu.pipeline_mode<synchronous>, transform_indices = @transform_3, window_bounds = array<i64: 128, 512>}, {pipeline_mode = #tpu.pipeline_mode<synchronous>, transform_indices = @transform_4, window_bounds = array<i64: 1, 512>}, {transform_indices = @transform_5, window_bounds = array<i64: 16, 12544>}, {pipeline_mode = #tpu.pipeline_mode<synchronous>, transform_indices = @transform_6, window_bounds = array<i64: 16, 1>}, {pipeline_mode = #tpu.pipeline_mode<synchronous>, transform_indices = @transform_7, window_bounds = array<i64: 16, 1>}, {pipeline_mode = #tpu.pipeline_mode<synchronous>, transform_indices = @transform_8, window_bounds = array<i64: 16, 512>}]} {
    %eq3A = arith.constant 0 : i32
    %eq3A_0 = arith.cmpi eq, %arg0, %eq3A : i32
    %convert_element_type3A = arith.extui %eq3A_0 : i1 to i32
    %cond3A = arith.constant 0 : i32
    %cond3A_1 = arith.cmpi ne, %convert_element_type3A, %cond3A : i32
    scf.if %cond3A_1 {
      %broadcast_in_dim3A_110 = arith.constant -1.000000e+30 : f32
      %broadcast_in_dim3A_111 = vector.broadcast %broadcast_in_dim3A_110 : f32 to vector<16x1xf32>
      %swap3A_112 = arith.constant 0 : index
      %swap3A_113 = arith.constant 0 : index
      %swap3A_114 = vector.load %arg10[%swap3A_112, %swap3A_113] : memref<16x1xf32, #tpu.memory_space<vmem>>, vector<16x1xf32>
      tpu.vector_store %arg10[%swap3A_112, %swap3A_113], %broadcast_in_dim3A_111 {strides = array<i32>} : memref<16x1xf32, #tpu.memory_space<vmem>>, vector<16x1xf32>,
      %broadcast_in_dim3A_115 = arith.constant 0.000000e+00 : f32
      %broadcast_in_dim3A_116 = vector.broadcast %broadcast_in_dim3A_115 : f32 to vector<16x1xf32>
      %swap3A_117 = arith.constant 0 : index
      %swap3A_118 = arith.constant 0 : index
      %swap3A_119 = vector.load %arg11[%swap3A_117, %swap3A_118] : memref<16x1xf32, #tpu.memory_space<vmem>>, vector<16x1xf32>
      tpu.vector_store %arg11[%swap3A_117, %swap3A_118], %broadcast_in_dim3A_116 {strides = array<i32>} : memref<16x1xf32, #tpu.memory_space<vmem>>, vector<16x1xf32>,
      %broadcast_in_dim3A_120 = arith.constant 0.000000e+00 : f32
      %broadcast_in_dim3A_121 = vector.broadcast %broadcast_in_dim3A_120 : f32 to vector<16x512xf32>
      %swap3A_122 = arith.constant 0 : index
      %swap3A_123 = arith.constant 0 : index
      %swap3A_124 = vector.load %arg12[%swap3A_122, %swap3A_123] : memref<16x512xf32, #tpu.memory_space<vmem>>, vector<16x512xf32>
      tpu.vector_store %arg12[%swap3A_122, %swap3A_123], %broadcast_in_dim3A_121 {strides = array<i32>} : memref<16x512xf32, #tpu.memory_space<vmem>>, vector<16x512xf32>,
      %broadcast_in_dim3A_125 = arith.constant -1.000000e+30 : f32
      %broadcast_in_dim3A_126 = vector.broadcast %broadcast_in_dim3A_125 : f32 to vector<16x1xf32>
      %swap3A_127 = arith.constant 0 : index
      %swap3A_128 = arith.constant 0 : index
      %swap3A_129 = vector.load %arg13[%swap3A_127, %swap3A_128] : memref<16x1xf32, #tpu.memory_space<vmem>>, vector<16x1xf32>
      tpu.vector_store %arg13[%swap3A_127, %swap3A_128], %broadcast_in_dim3A_126 {strides = array<i32>} : memref<16x1xf32, #tpu.memory_space<vmem>>, vector<16x1xf32>,
      %broadcast_in_dim3A_130 = arith.constant 0 : i32
      %broadcast_in_dim3A_131 = vector.broadcast %broadcast_in_dim3A_130 : i32 to vector<16x1xi32>
      %swap3A_132 = arith.constant 0 : index
      %swap3A_133 = arith.constant 0 : index
      %swap3A_134 = vector.load %arg14[%swap3A_132, %swap3A_133] : memref<16x1xi32, #tpu.memory_space<vmem>>, vector<16x1xi32>
      tpu.vector_store %arg14[%swap3A_132, %swap3A_133], %broadcast_in_dim3A_131 {strides = array<i32>} : memref<16x1xi32, #tpu.memory_space<vmem>>, vector<16x1xi32>,
    } else {
    }
    %mul3A = arith.constant 12544 : i32
    %mul3A_2 = arith.muli %arg0, %mul3A : i32
    %sub3A = arith.constant 100000 : i32
    %sub3A_3 = arith.subi %sub3A, %mul3A_2 : i32
    %iota3A = tpu.iota {dimensions = array<i32: 0>} : vector<12544x128xi32>
    %lt3A = vector.broadcast %sub3A_3 : i32 to vector<12544x128xi32>
    %lt3A_4 = arith.cmpi slt, %iota3A, %lt3A : vector<12544x128xi32>
    %get3A = arith.constant 0 : index
    %get3A_5 = arith.constant 0 : index
    %get3A_6 = vector.load %arg2[%get3A, %get3A_5] : memref<12544x128xf32, #tpu.memory_space<vmem>>, vector<12544x128xf32>
    %jit3A = arith.constant 0.000000e+00 : f32
    %broadcast_in_dim3A = vector.broadcast %jit3A : f32 to vector<12544x128xf32>
    %select_n3A = arith.select %lt3A_4, %get3A_6, %broadcast_in_dim3A : vector<12544x128xi1>, vector<12544x128xf32>
    %get3A_7 = arith.constant 0 : index
    %get3A_8 = arith.constant 0 : index
    %get3A_9 = vector.load %arg4[%get3A_7, %get3A_8] : memref<128x512xf32, #tpu.memory_space<vmem>>, vector<128x512xf32>
    %dot_general3A = arith.constant dense<0.000000e+00> : vector<12544x512xf32>
    %dot_general3A_10 = tpu.matmul %select_n3A, %get3A_9, %dot_general3A {dimension_numbers = #tpu.dot_dimension_numbers<[1], [0], [0], [1], [0, 0, 1, 1], [], []>, transpose_lhs_hint = false} : vector<12544x128xf32>, vector<128x512xf32>, vector<12544x512xf32> -> vector<12544x512xf32>
    %get3A_11 = arith.constant 0 : index
    %get3A_12 = arith.constant 0 : index
    %get3A_13 = vector.load %arg5[%get3A_11, %get3A_12] : memref<1x512xf32, #tpu.memory_space<vmem>>, vector<1x512xf32>
    %add3A = vector.broadcast %get3A_13 : vector<1x512xf32> to vector<12544x512xf32>
    %add3A_14 = arith.addf %dot_general3A_10, %add3A : vector<12544x512xf32>
    %get3A_15 = arith.constant 0 : index
    %get3A_16 = arith.constant 0 : index
    %get3A_17 = vector.load %arg1[%get3A_15, %get3A_16] : memref<16x512xf32, #tpu.memory_space<vmem>>, vector<16x512xf32>
    %dot_general3A_18 = arith.constant dense<0.000000e+00> : vector<16x12544xf32>
    %dot_general3A_19 = tpu.matmul %get3A_17, %add3A_14, %dot_general3A_18 {dimension_numbers = #tpu.dot_dimension_numbers<[1], [1], [0], [0], [0, 0, 1, 0], [], []>, transpose_lhs_hint = false} : vector<16x512xf32>, vector<12544x512xf32>, vector<16x12544xf32> -> vector<16x12544xf32>
    %iota3A_20 = tpu.iota {dimensions = array<i32: 1>} : vector<16x12544xi32>
    %lt3A_21 = vector.broadcast %sub3A_3 : i32 to vector<16x12544xi32>
    %lt3A_22 = arith.cmpi slt, %iota3A_20, %lt3A_21 : vector<16x12544xi32>
    %get3A_23 = arith.constant 0 : index
    %get3A_24 = arith.constant 0 : index
    %get3A_25 = vector.load %arg3[%get3A_23, %get3A_24] : memref<16x12544xf32, #tpu.memory_space<vmem>>, vector<16x12544xf32>
    %add3A_26 = arith.addf %dot_general3A_19, %get3A_25 : vector<16x12544xf32>
    %mul3A_27 = arith.constant 1.49253726 : f32
    %mul3A_28 = vector.broadcast %mul3A_27 : f32 to vector<16x12544xf32>
    %mul3A_29 = arith.mulf %add3A_26, %mul3A_28 : vector<16x12544xf32>
    %jit3A_30 = arith.constant -1.000000e+30 : f32
    %broadcast_in_dim3A_31 = vector.broadcast %jit3A_30 : f32 to vector<16x12544xf32>
    %select_n3A_32 = arith.select %lt3A_22, %mul3A_29, %broadcast_in_dim3A_31 : vector<16x12544xi1>, vector<16x12544xf32>
    %swap3A = arith.constant 0 : index
    %swap3A_33 = arith.constant 0 : index
    %swap3A_34 = vector.load %arg6[%swap3A, %swap3A_33] : memref<16x12544xf32, #tpu.memory_space<vmem>>, vector<16x12544xf32>
    tpu.vector_store %arg6[%swap3A, %swap3A_33], %select_n3A_32 {strides = array<i32>} : memref<16x12544xf32, #tpu.memory_space<vmem>>, vector<16x12544xf32>,
    %reduce_max3A = arith.constant dense<0xFF800000> : vector<16xf32>
    %reduce_max3A_35 = vector.multi_reduction <maximumf>, %select_n3A_32, %reduce_max3A [1] : vector<16x12544xf32> to vector<16xf32>
    %broadcast_in_dim3A_36 = vector.shape_cast %reduce_max3A_35 : vector<16xf32> to vector<16x1xf32>
    %get3A_37 = arith.constant 0 : index
    %get3A_38 = arith.constant 0 : index
    %get3A_39 = vector.load %arg10[%get3A_37, %get3A_38] : memref<16x1xf32, #tpu.memory_space<vmem>>, vector<16x1xf32>
    %max3A = arith.maximumf %get3A_39, %broadcast_in_dim3A_36 : vector<16x1xf32>
    %get3A_40 = arith.constant 0 : index
    %get3A_41 = arith.constant 0 : index
    %get3A_42 = vector.load %arg10[%get3A_40, %get3A_41] : memref<16x1xf32, #tpu.memory_space<vmem>>, vector<16x1xf32>
    %sub3A_43 = arith.subf %get3A_42, %max3A : vector<16x1xf32>
    %exp3A = math.exp %sub3A_43 : vector<16x1xf32>
    %sub3A_44 = vector.broadcast %max3A : vector<16x1xf32> to vector<16x12544xf32>
    %sub3A_45 = arith.subf %select_n3A_32, %sub3A_44 : vector<16x12544xf32>
    %exp3A_46 = math.exp %sub3A_45 : vector<16x12544xf32>
    %get3A_47 = arith.constant 0 : index
    %get3A_48 = arith.constant 0 : index
    %get3A_49 = vector.load %arg11[%get3A_47, %get3A_48] : memref<16x1xf32, #tpu.memory_space<vmem>>, vector<16x1xf32>
    %mul3A_50 = arith.mulf %get3A_49, %exp3A : vector<16x1xf32>
    %reduce_sum3A = arith.constant dense<0.000000e+00> : vector<16xf32>
    %reduce_sum3A_51 = vector.multi_reduction <add>, %exp3A_46, %reduce_sum3A [1] : vector<16x12544xf32> to vector<16xf32>
    %broadcast_in_dim3A_52 = vector.shape_cast %reduce_sum3A_51 : vector<16xf32> to vector<16x1xf32>
    %add3A_53 = arith.addf %mul3A_50, %broadcast_in_dim3A_52 : vector<16x1xf32>
    %swap3A_54 = arith.constant 0 : index
    %swap3A_55 = arith.constant 0 : index
    %swap3A_56 = vector.load %arg11[%swap3A_54, %swap3A_55] : memref<16x1xf32, #tpu.memory_space<vmem>>, vector<16x1xf32>
    tpu.vector_store %arg11[%swap3A_54, %swap3A_55], %add3A_53 {strides = array<i32>} : memref<16x1xf32, #tpu.memory_space<vmem>>, vector<16x1xf32>,
    %get3A_57 = arith.constant 0 : index
    %get3A_58 = arith.constant 0 : index
    %get3A_59 = vector.load %arg12[%get3A_57, %get3A_58] : memref<16x512xf32, #tpu.memory_space<vmem>>, vector<16x512xf32>
    %mul3A_60 = vector.broadcast %exp3A : vector<16x1xf32> to vector<16x512xf32>
    %mul3A_61 = arith.mulf %get3A_59, %mul3A_60 : vector<16x512xf32>
    %dot_general3A_62 = arith.constant dense<0.000000e+00> : vector<16x512xf32>
    %dot_general3A_63 = tpu.matmul %exp3A_46, %add3A_14, %dot_general3A_62 {dimension_numbers = #tpu.dot_dimension_numbers<[1], [0], [0], [1], [0, 0, 1, 1], [], []>, transpose_lhs_hint = false} : vector<16x12544xf32>, vector<12544x512xf32>, vector<16x512xf32> -> vector<16x512xf32>
    %add3A_64 = arith.addf %mul3A_61, %dot_general3A_63 : vector<16x512xf32>
    %swap3A_65 = arith.constant 0 : index
    %swap3A_66 = arith.constant 0 : index
    %swap3A_67 = vector.load %arg12[%swap3A_65, %swap3A_66] : memref<16x512xf32, #tpu.memory_space<vmem>>, vector<16x512xf32>
    tpu.vector_store %arg12[%swap3A_65, %swap3A_66], %add3A_64 {strides = array<i32>} : memref<16x512xf32, #tpu.memory_space<vmem>>, vector<16x512xf32>,
    %swap3A_68 = arith.constant 0 : index
    %swap3A_69 = arith.constant 0 : index
    %swap3A_70 = vector.load %arg10[%swap3A_68, %swap3A_69] : memref<16x1xf32, #tpu.memory_space<vmem>>, vector<16x1xf32>
    tpu.vector_store %arg10[%swap3A_68, %swap3A_69], %max3A {strides = array<i32>} : memref<16x1xf32, #tpu.memory_space<vmem>>, vector<16x1xf32>,
    %jit3A_71 = arith.constant -1.000000e+30 : f32
    %broadcast_in_dim3A_72 = vector.broadcast %jit3A_71 : f32 to vector<16x12544xf32>
    %select_n3A_73 = arith.select %lt3A_22, %dot_general3A_19, %broadcast_in_dim3A_72 : vector<16x12544xi1>, vector<16x12544xf32>
    %reduce_max3A_74 = arith.constant dense<0xFF800000> : vector<16xf32>
    %reduce_max3A_75 = vector.multi_reduction <maximumf>, %select_n3A_73, %reduce_max3A_74 [1] : vector<16x12544xf32> to vector<16xf32>
    %broadcast_in_dim3A_76 = vector.shape_cast %reduce_max3A_75 : vector<16xf32> to vector<16x1xf32>
    %eq3A_77 = vector.broadcast %broadcast_in_dim3A_76 : vector<16x1xf32> to vector<16x12544xf32>
    %eq3A_78 = arith.cmpf oeq, %select_n3A_73, %eq3A_77 : vector<16x12544xf32>
    %jit3A_79 = arith.constant 2147483647 : i32
    %broadcast_in_dim3A_80 = vector.broadcast %jit3A_79 : i32 to vector<16x12544xi32>
    %select_n3A_81 = arith.select %eq3A_78, %iota3A_20, %broadcast_in_dim3A_80 : vector<16x12544xi1>, vector<16x12544xi32>
    %reduce_min3A = arith.constant dense<2147483647> : vector<16xi32>
    %reduce_min3A_82 = vector.multi_reduction <minsi>, %select_n3A_81, %reduce_min3A [1] : vector<16x12544xi32> to vector<16xi32>
    %broadcast_in_dim3A_83 = vector.shape_cast %reduce_min3A_82 : vector<16xi32> to vector<16x1xi32>
    %get3A_84 = arith.constant 0 : index
    %get3A_85 = arith.constant 0 : index
    %get3A_86 = vector.load %arg13[%get3A_84, %get3A_85] : memref<16x1xf32, #tpu.memory_space<vmem>>, vector<16x1xf32>
    %gt3A = arith.cmpf ogt, %broadcast_in_dim3A_76, %get3A_86 : vector<16x1xf32>
    %mul3A_87 = arith.constant 12544 : i32
    %mul3A_88 = arith.muli %arg0, %mul3A_87 : i32
    %add3A_89 = vector.broadcast %mul3A_88 : i32 to vector<16x1xi32>
    %add3A_90 = arith.addi %add3A_89, %broadcast_in_dim3A_83 : vector<16x1xi32>
    %get3A_91 = arith.constant 0 : index
    %get3A_92 = arith.constant 0 : index
    %get3A_93 = vector.load %arg14[%get3A_91, %get3A_92] : memref<16x1xi32, #tpu.memory_space<vmem>>, vector<16x1xi32>
    %select_n3A_94 = arith.select %gt3A, %add3A_90, %get3A_93 : vector<16x1xi1>, vector<16x1xi32>
    %swap3A_95 = arith.constant 0 : index
    %swap3A_96 = arith.constant 0 : index
    %swap3A_97 = vector.load %arg14[%swap3A_95, %swap3A_96] : memref<16x1xi32, #tpu.memory_space<vmem>>, vector<16x1xi32>
    tpu.vector_store %arg14[%swap3A_95, %swap3A_96], %select_n3A_94 {strides = array<i32>} : memref<16x1xi32, #tpu.memory_space<vmem>>, vector<16x1xi32>,
    %get3A_98 = arith.constant 0 : index
    %get3A_99 = arith.constant 0 : index
    %get3A_100 = vector.load %arg13[%get3A_98, %get3A_99] : memref<16x1xf32, #tpu.memory_space<vmem>>, vector<16x1xf32>
    %select_n3A_101 = arith.select %gt3A, %broadcast_in_dim3A_76, %get3A_100 : vector<16x1xi1>, vector<16x1xf32>
    %swap3A_102 = arith.constant 0 : index
    %swap3A_103 = arith.constant 0 : index
    %swap3A_104 = vector.load %arg13[%swap3A_102, %swap3A_103] : memref<16x1xf32, #tpu.memory_space<vmem>>, vector<16x1xf32>
    tpu.vector_store %arg13[%swap3A_102, %swap3A_103], %select_n3A_101 {strides = array<i32>} : memref<16x1xf32, #tpu.memory_space<vmem>>, vector<16x1xf32>,
    %eq3A_105 = arith.constant 7 : i32
    %eq3A_106 = arith.cmpi eq, %arg0, %eq3A_105 : i32
    %convert_element_type3A_107 = arith.extui %eq3A_106 : i1 to i32
    %cond3A_108 = arith.constant 0 : i32
    %cond3A_109 = arith.cmpi ne, %convert_element_type3A_107, %cond3A_108 : i32
    scf.if %cond3A_109 {
      %get3A_110 = arith.constant 0 : index
      %get3A_111 = arith.constant 0 : index
      %get3A_112 = vector.load %arg10[%get3A_110, %get3A_111] : memref<16x1xf32, #tpu.memory_space<vmem>>, vector<16x1xf32>
      %get3A_113 = arith.constant 0 : index
      %get3A_114 = arith.constant 0 : index
      %get3A_115 = vector.load %arg11[%get3A_113, %get3A_114] : memref<16x1xf32, #tpu.memory_space<vmem>>, vector<16x1xf32>
      %log3A = math.log %get3A_115 : vector<16x1xf32>
      %add3A_116 = arith.addf %get3A_112, %log3A : vector<16x1xf32>
      %swap3A_117 = arith.constant 0 : index
      %swap3A_118 = arith.constant 0 : index
      %swap3A_119 = vector.load %arg7[%swap3A_117, %swap3A_118] : memref<16x1xf32, #tpu.memory_space<vmem>>, vector<16x1xf32>
      tpu.vector_store %arg7[%swap3A_117, %swap3A_118], %add3A_116 {strides = array<i32>} : memref<16x1xf32, #tpu.memory_space<vmem>>, vector<16x1xf32>,
      %get3A_120 = arith.constant 0 : index
      %get3A_121 = arith.constant 0 : index
      %get3A_122 = vector.load %arg14[%get3A_120, %get3A_121] : memref<16x1xi32, #tpu.memory_space<vmem>>, vector<16x1xi32>
      %swap3A_123 = arith.constant 0 : index
      %swap3A_124 = arith.constant 0 : index
      %swap3A_125 = vector.load %arg8[%swap3A_123, %swap3A_124] : memref<16x1xi32, #tpu.memory_space<vmem>>, vector<16x1xi32>
      tpu.vector_store %arg8[%swap3A_123, %swap3A_124], %get3A_122 {strides = array<i32>} : memref<16x1xi32, #tpu.memory_space<vmem>>, vector<16x1xi32>,
      %get3A_126 = arith.constant 0 : index
      %get3A_127 = arith.constant 0 : index
      %get3A_128 = vector.load %arg1[%get3A_126, %get3A_127] : memref<16x512xf32, #tpu.memory_space<vmem>>, vector<16x512xf32>
      %get3A_129 = arith.constant 0 : index
      %get3A_130 = arith.constant 0 : index
      %get3A_131 = vector.load %arg12[%get3A_129, %get3A_130] : memref<16x512xf32, #tpu.memory_space<vmem>>, vector<16x512xf32>
      %get3A_132 = arith.constant 0 : index
      %get3A_133 = arith.constant 0 : index
      %get3A_134 = vector.load %arg11[%get3A_132, %get3A_133] : memref<16x1xf32, #tpu.memory_space<vmem>>, vector<16x1xf32>
      %div3A = vector.broadcast %get3A_134 : vector<16x1xf32> to vector<16x512xf32>
      %div3A_135 = arith.divf %get3A_131, %div3A : vector<16x512xf32>
      %add3A_136 = arith.addf %get3A_128, %div3A_135 : vector<16x512xf32>
      %tanh3A = math.tanh %add3A_136 : vector<16x512xf32>
      %swap3A_137 = arith.constant 0 : index
      %swap3A_138 = arith.constant 0 : index
      %swap3A_139 = vector.load %arg9[%swap3A_137, %swap3A_138] : memref<16x512xf32, #tpu.memory_space<vmem>>, vector<16x512xf32>
      tpu.vector_store %arg9[%swap3A_137, %swap3A_138], %tanh3A {strides = array<i32>} : memref<16x512xf32, #tpu.memory_space<vmem>>, vector<16x512xf32>,
    } else {
    }
    return
  }
  func.func @transform_0(%arg0: i32) -> (i32, i32) {
    %c0_i32 = arith.constant 0 : i32
    %c0_i32_0 = arith.constant 0 : i32
    %c0_i32_1 = arith.constant 0 : i32
    return %c0_i32, %c0_i32_0 : i32, i32
  }
  func.func @transform_1(%arg0: i32) -> (i32, i32) {
    %c0_i32 = arith.constant 0 : i32
    %c0_i32_0 = arith.constant 0 : i32
    return %arg0, %c0_i32 : i32, i32
  }
  func.func @transform_2(%arg0: i32) -> (i32, i32) {
    %c0_i32 = arith.constant 0 : i32
    %c0_i32_0 = arith.constant 0 : i32
    return %c0_i32, %arg0 : i32, i32
  }
  func.func @transform_3(%arg0: i32) -> (i32, i32) {
    %c0_i32 = arith.constant 0 : i32
    %c0_i32_0 = arith.constant 0 : i32
    %c0_i32_1 = arith.constant 0 : i32
    return %c0_i32, %c0_i32_0 : i32, i32
  }
  func.func @transform_4(%arg0: i32) -> (i32, i32) {
    %c0_i32 = arith.constant 0 : i32
    %c0_i32_0 = arith.constant 0 : i32
    %c0_i32_1 = arith.constant 0 : i32
    return %c0_i32, %c0_i32_0 : i32, i32
  }
  func.func @transform_5(%arg0: i32) -> (i32, i32) {
    %c0_i32 = arith.constant 0 : i32
    %c0_i32_0 = arith.constant 0 : i32
    return %c0_i32, %arg0 : i32, i32
  }
  func.func @transform_6(%arg0: i32) -> (i32, i32) {
    %c0_i32 = arith.constant 0 : i32
    %c0_i32_0 = arith.constant 0 : i32
    %c0_i32_1 = arith.constant 0 : i32
    return %c0_i32, %c0_i32_0 : i32, i32
  }
  func.func @transform_7(%arg0: i32) -> (i32, i32) {
    %c0_i32 = arith.constant 0 : i32
    %c0_i32_0 = arith.constant 0 : i32
    %c0_i32_1 = arith.constant 0 : i32
    return %c0_i32, %c0_i32_0 : i32, i32
  }
  func.func @transform_8(%arg0: i32) -> (i32, i32) {
    %c0_i32 = arith.constant 0 : i32
    %c0_i32_0 = arith.constant 0 : i32
    %c0_i32_1 = arith.constant 0 : i32
    return %c0_i32, %c0_i32_0 : i32, i32
  }
}

module attributes {stable_mosaic.version = 14 : i64} {
  func.func @_policy_body(%arg0: i32, %arg1: memref<16x512xf32, #tpu.memory_space<vmem>>, %arg2: memref<12544x128xf32, #tpu.memory_space<vmem>>, %arg3: memref<16x12544xf32, #tpu.memory_space<vmem>>, %arg4: memref<128x512xf32, #tpu.memory_space<vmem>>, %arg5: memref<1x512xf32, #tpu.memory_space<vmem>>, %arg6: memref<16x12544xf32, #tpu.memory_space<vmem>>, %arg7: memref<16x1xf32, #tpu.memory_space<vmem>>, %arg8: memref<16x1xi32, #tpu.memory_space<vmem>>, %arg9: memref<16x512xf32, #tpu.memory_space<vmem>>, %arg10: memref<16x1xf32, #tpu.memory_space<vmem>>, %arg11: memref<16x1xf32, #tpu.memory_space<vmem>>, %arg12: memref<16x512xf32, #tpu.memory_space<vmem>>, %arg13: memref<16x1xf32, #tpu.memory_space<vmem>>, %arg14: memref<16x1xi32, #tpu.memory_space<vmem>>) attributes {dimension_semantics = [#tpu.dimension_semantics<arbitrary>], iteration_bounds = array<i64: 8>, scalar_prefetch = 0 : i64, scratch_operands = 5 : i64, tpu.core_type = #tpu.core_type<tc>, window_params = [{pipeline_mode = #tpu.pipeline_mode<synchronous>, transform_indices = @transform_0, window_bounds = array<i64: 16, 512>}, {transform_indices = @transform_1, window_bounds = array<i64: 12544, 128>}, {transform_indices = @transform_2, window_bounds = array<i64: 16, 12544>}, {pipeline_mode = #tpu.pipeline_mode<synchronous>, transform_indices = @transform_3, window_bounds = array<i64: 128, 512>}, {pipeline_mode = #tpu.pipeline_mode<synchronous>, transform_indices = @transform_4, window_bounds = array<i64: 1, 512>}, {transform_indices = @transform_5, window_bounds = array<i64: 16, 12544>}, {pipeline_mode = #tpu.pipeline_mode<synchronous>, transform_indices = @transform_6, window_bounds = array<i64: 16, 1>}, {pipeline_mode = #tpu.pipeline_mode<synchronous>, transform_indices = @transform_7, window_bounds = array<i64: 16, 1>}, {pipeline_mode = #tpu.pipeline_mode<synchronous>, transform_indices = @transform_8, window_bounds = array<i64: 16, 512>}]} {
    %eq3A = arith.constant 0 : i32
    %eq3A_0 = arith.cmpi eq, %arg0, %eq3A : i32
    %convert_element_type3A = arith.extui %eq3A_0 : i1 to i32
    %cond3A = arith.constant 0 : i32
    %cond3A_1 = arith.cmpi ne, %convert_element_type3A, %cond3A : i32
    scf.if %cond3A_1 {
      %broadcast_in_dim3A_110 = arith.constant -1.000000e+30 : f32
      %broadcast_in_dim3A_111 = vector.broadcast %broadcast_in_dim3A_110 : f32 to vector<16x1xf32>
      %swap3A_112 = arith.constant 0 : index
      %swap3A_113 = arith.constant 0 : index
      %swap3A_114 = vector.load %arg10[%swap3A_112, %swap3A_113] : memref<16x1xf32, #tpu.memory_space<vmem>>, vector<16x1xf32>
      tpu.vector_store %arg10[%swap3A_112, %swap3A_113], %broadcast_in_dim3A_111 {strides = array<i32>} : memref<16x1xf32, #tpu.memory_space<vmem>>, vector<16x1xf32>,
      %broadcast_in_dim3A_115 = arith.constant 0.000000e+00 : f32
      %broadcast_in_dim3A_116 = vector.broadcast %broadcast_in_dim3A_115 : f32 to vector<16x1xf32>
      %swap3A_117 = arith.constant 0 : index
      %swap3A_118 = arith.constant 0 : index
      %swap3A_119 = vector.load %arg11[%swap3A_117, %swap3A_118] : memref<16x1xf32, #tpu.memory_space<vmem>>, vector<16x1xf32>
      tpu.vector_store %arg11[%swap3A_117, %swap3A_118], %broadcast_in_dim3A_116 {strides = array<i32>} : memref<16x1xf32, #tpu.memory_space<vmem>>, vector<16x1xf32>,
      %broadcast_in_dim3A_120 = arith.constant 0.000000e+00 : f32
      %broadcast_in_dim3A_121 = vector.broadcast %broadcast_in_dim3A_120 : f32 to vector<16x512xf32>
      %swap3A_122 = arith.constant 0 : index
      %swap3A_123 = arith.constant 0 : index
      %swap3A_124 = vector.load %arg12[%swap3A_122, %swap3A_123] : memref<16x512xf32, #tpu.memory_space<vmem>>, vector<16x512xf32>
      tpu.vector_store %arg12[%swap3A_122, %swap3A_123], %broadcast_in_dim3A_121 {strides = array<i32>} : memref<16x512xf32, #tpu.memory_space<vmem>>, vector<16x512xf32>,
      %broadcast_in_dim3A_125 = arith.constant -1.000000e+30 : f32
      %broadcast_in_dim3A_126 = vector.broadcast %broadcast_in_dim3A_125 : f32 to vector<16x1xf32>
      %swap3A_127 = arith.constant 0 : index
      %swap3A_128 = arith.constant 0 : index
      %swap3A_129 = vector.load %arg13[%swap3A_127, %swap3A_128] : memref<16x1xf32, #tpu.memory_space<vmem>>, vector<16x1xf32>
      tpu.vector_store %arg13[%swap3A_127, %swap3A_128], %broadcast_in_dim3A_126 {strides = array<i32>} : memref<16x1xf32, #tpu.memory_space<vmem>>, vector<16x1xf32>,
      %broadcast_in_dim3A_130 = arith.constant 0 : i32
      %broadcast_in_dim3A_131 = vector.broadcast %broadcast_in_dim3A_130 : i32 to vector<16x1xi32>
      %swap3A_132 = arith.constant 0 : index
      %swap3A_133 = arith.constant 0 : index
      %swap3A_134 = vector.load %arg14[%swap3A_132, %swap3A_133] : memref<16x1xi32, #tpu.memory_space<vmem>>, vector<16x1xi32>
      tpu.vector_store %arg14[%swap3A_132, %swap3A_133], %broadcast_in_dim3A_131 {strides = array<i32>} : memref<16x1xi32, #tpu.memory_space<vmem>>, vector<16x1xi32>,
    } else {
    }
    %mul3A = arith.constant 12544 : i32
    %mul3A_2 = arith.muli %arg0, %mul3A : i32
    %sub3A = arith.constant 100000 : i32
    %sub3A_3 = arith.subi %sub3A, %mul3A_2 : i32
    %iota3A = tpu.iota {dimensions = array<i32: 0>} : vector<12544x128xi32>
    %lt3A = vector.broadcast %sub3A_3 : i32 to vector<12544x128xi32>
    %lt3A_4 = arith.cmpi slt, %iota3A, %lt3A : vector<12544x128xi32>
    %get3A = arith.constant 0 : index
    %get3A_5 = arith.constant 0 : index
    %get3A_6 = vector.load %arg2[%get3A, %get3A_5] : memref<12544x128xf32, #tpu.memory_space<vmem>>, vector<12544x128xf32>
    %jit3A = arith.constant 0.000000e+00 : f32
    %broadcast_in_dim3A = vector.broadcast %jit3A : f32 to vector<12544x128xf32>
    %select_n3A = arith.select %lt3A_4, %get3A_6, %broadcast_in_dim3A : vector<12544x128xi1>, vector<12544x128xf32>
    %get3A_7 = arith.constant 0 : index
    %get3A_8 = arith.constant 0 : index
    %get3A_9 = vector.load %arg4[%get3A_7, %get3A_8] : memref<128x512xf32, #tpu.memory_space<vmem>>, vector<128x512xf32>
    %dot_general3A = arith.constant dense<0.000000e+00> : vector<12544x512xf32>
    %dot_general3A_10 = tpu.matmul %select_n3A, %get3A_9, %dot_general3A {dimension_numbers = #tpu.dot_dimension_numbers<[1], [0], [0], [1], [0, 0, 1, 1], [], []>, transpose_lhs_hint = false} : vector<12544x128xf32>, vector<128x512xf32>, vector<12544x512xf32> -> vector<12544x512xf32>
    %get3A_11 = arith.constant 0 : index
    %get3A_12 = arith.constant 0 : index
    %get3A_13 = vector.load %arg5[%get3A_11, %get3A_12] : memref<1x512xf32, #tpu.memory_space<vmem>>, vector<1x512xf32>
    %add3A = vector.broadcast %get3A_13 : vector<1x512xf32> to vector<12544x512xf32>
    %add3A_14 = arith.addf %dot_general3A_10, %add3A : vector<12544x512xf32>
    %get3A_15 = arith.constant 0 : index
    %get3A_16 = arith.constant 0 : index
    %get3A_17 = vector.load %arg1[%get3A_15, %get3A_16] : memref<16x512xf32, #tpu.memory_space<vmem>>, vector<16x512xf32>
    %dot_general3A_18 = arith.constant dense<0.000000e+00> : vector<16x12544xf32>
    %dot_general3A_19 = tpu.matmul %get3A_17, %add3A_14, %dot_general3A_18 {dimension_numbers = #tpu.dot_dimension_numbers<[1], [1], [0], [0], [0, 0, 1, 0], [], []>, transpose_lhs_hint = false} : vector<16x512xf32>, vector<12544x512xf32>, vector<16x12544xf32> -> vector<16x12544xf32>
    %iota3A_20 = tpu.iota {dimensions = array<i32: 1>} : vector<16x12544xi32>
    %lt3A_21 = vector.broadcast %sub3A_3 : i32 to vector<16x12544xi32>
    %lt3A_22 = arith.cmpi slt, %iota3A_20, %lt3A_21 : vector<16x12544xi32>
    %get3A_23 = arith.constant 0 : index
    %get3A_24 = arith.constant 0 : index
    %get3A_25 = vector.load %arg3[%get3A_23, %get3A_24] : memref<16x12544xf32, #tpu.memory_space<vmem>>, vector<16x12544xf32>
    %add3A_26 = arith.addf %dot_general3A_19, %get3A_25 : vector<16x12544xf32>
    %mul3A_27 = arith.constant 1.49253726 : f32
    %mul3A_28 = vector.broadcast %mul3A_27 : f32 to vector<16x12544xf32>
    %mul3A_29 = arith.mulf %add3A_26, %mul3A_28 : vector<16x12544xf32>
    %jit3A_30 = arith.constant -1.000000e+30 : f32
    %broadcast_in_dim3A_31 = vector.broadcast %jit3A_30 : f32 to vector<16x12544xf32>
    %select_n3A_32 = arith.select %lt3A_22, %mul3A_29, %broadcast_in_dim3A_31 : vector<16x12544xi1>, vector<16x12544xf32>
    %swap3A = arith.constant 0 : index
    %swap3A_33 = arith.constant 0 : index
    %swap3A_34 = vector.load %arg6[%swap3A, %swap3A_33] : memref<16x12544xf32, #tpu.memory_space<vmem>>, vector<16x12544xf32>
    tpu.vector_store %arg6[%swap3A, %swap3A_33], %select_n3A_32 {strides = array<i32>} : memref<16x12544xf32, #tpu.memory_space<vmem>>, vector<16x12544xf32>,
    %reduce_max3A = arith.constant dense<0xFF800000> : vector<16xf32>
    %reduce_max3A_35 = vector.multi_reduction <maximumf>, %select_n3A_32, %reduce_max3A [1] : vector<16x12544xf32> to vector<16xf32>
    %broadcast_in_dim3A_36 = vector.shape_cast %reduce_max3A_35 : vector<16xf32> to vector<16x1xf32>
    %get3A_37 = arith.constant 0 : index
    %get3A_38 = arith.constant 0 : index
    %get3A_39 = vector.load %arg10[%get3A_37, %get3A_38] : memref<16x1xf32, #tpu.memory_space<vmem>>, vector<16x1xf32>
    %max3A = arith.maximumf %get3A_39, %broadcast_in_dim3A_36 : vector<16x1xf32>
    %get3A_40 = arith.constant 0 : index
    %get3A_41 = arith.constant 0 : index
    %get3A_42 = vector.load %arg10[%get3A_40, %get3A_41] : memref<16x1xf32, #tpu.memory_space<vmem>>, vector<16x1xf32>
    %sub3A_43 = arith.subf %get3A_42, %max3A : vector<16x1xf32>
    %exp3A = math.exp %sub3A_43 : vector<16x1xf32>
    %sub3A_44 = vector.broadcast %max3A : vector<16x1xf32> to vector<16x12544xf32>
    %sub3A_45 = arith.subf %select_n3A_32, %sub3A_44 : vector<16x12544xf32>
    %exp3A_46 = math.exp %sub3A_45 : vector<16x12544xf32>
    %get3A_47 = arith.constant 0 : index
    %get3A_48 = arith.constant 0 : index
    %get3A_49 = vector.load %arg11[%get3A_47, %get3A_48] : memref<16x1xf32, #tpu.memory_space<vmem>>, vector<16x1xf32>
    %mul3A_50 = arith.mulf %get3A_49, %exp3A : vector<16x1xf32>
    %reduce_sum3A = arith.constant dense<0.000000e+00> : vector<16xf32>
    %reduce_sum3A_51 = vector.multi_reduction <add>, %exp3A_46, %reduce_sum3A [1] : vector<16x12544xf32> to vector<16xf32>
    %broadcast_in_dim3A_52 = vector.shape_cast %reduce_sum3A_51 : vector<16xf32> to vector<16x1xf32>
    %add3A_53 = arith.addf %mul3A_50, %broadcast_in_dim3A_52 : vector<16x1xf32>
    %swap3A_54 = arith.constant 0 : index
    %swap3A_55 = arith.constant 0 : index
    %swap3A_56 = vector.load %arg11[%swap3A_54, %swap3A_55] : memref<16x1xf32, #tpu.memory_space<vmem>>, vector<16x1xf32>
    tpu.vector_store %arg11[%swap3A_54, %swap3A_55], %add3A_53 {strides = array<i32>} : memref<16x1xf32, #tpu.memory_space<vmem>>, vector<16x1xf32>,
    %get3A_57 = arith.constant 0 : index
    %get3A_58 = arith.constant 0 : index
    %get3A_59 = vector.load %arg12[%get3A_57, %get3A_58] : memref<16x512xf32, #tpu.memory_space<vmem>>, vector<16x512xf32>
    %mul3A_60 = vector.broadcast %exp3A : vector<16x1xf32> to vector<16x512xf32>
    %mul3A_61 = arith.mulf %get3A_59, %mul3A_60 : vector<16x512xf32>
    %dot_general3A_62 = arith.constant dense<0.000000e+00> : vector<16x512xf32>
    %dot_general3A_63 = tpu.matmul %exp3A_46, %add3A_14, %dot_general3A_62 {dimension_numbers = #tpu.dot_dimension_numbers<[1], [0], [0], [1], [0, 0, 1, 1], [], []>, transpose_lhs_hint = false} : vector<16x12544xf32>, vector<12544x512xf32>, vector<16x512xf32> -> vector<16x512xf32>
    %add3A_64 = arith.addf %mul3A_61, %dot_general3A_63 : vector<16x512xf32>
    %swap3A_65 = arith.constant 0 : index
    %swap3A_66 = arith.constant 0 : index
    %swap3A_67 = vector.load %arg12[%swap3A_65, %swap3A_66] : memref<16x512xf32, #tpu.memory_space<vmem>>, vector<16x512xf32>
    tpu.vector_store %arg12[%swap3A_65, %swap3A_66], %add3A_64 {strides = array<i32>} : memref<16x512xf32, #tpu.memory_space<vmem>>, vector<16x512xf32>,
    %swap3A_68 = arith.constant 0 : index
    %swap3A_69 = arith.constant 0 : index
    %swap3A_70 = vector.load %arg10[%swap3A_68, %swap3A_69] : memref<16x1xf32, #tpu.memory_space<vmem>>, vector<16x1xf32>
    tpu.vector_store %arg10[%swap3A_68, %swap3A_69], %max3A {strides = array<i32>} : memref<16x1xf32, #tpu.memory_space<vmem>>, vector<16x1xf32>,
    %jit3A_71 = arith.constant -1.000000e+30 : f32
    %broadcast_in_dim3A_72 = vector.broadcast %jit3A_71 : f32 to vector<16x12544xf32>
    %select_n3A_73 = arith.select %lt3A_22, %dot_general3A_19, %broadcast_in_dim3A_72 : vector<16x12544xi1>, vector<16x12544xf32>
    %reduce_max3A_74 = arith.constant dense<0xFF800000> : vector<16xf32>
    %reduce_max3A_75 = vector.multi_reduction <maximumf>, %select_n3A_73, %reduce_max3A_74 [1] : vector<16x12544xf32> to vector<16xf32>
    %broadcast_in_dim3A_76 = vector.shape_cast %reduce_max3A_75 : vector<16xf32> to vector<16x1xf32>
    %eq3A_77 = vector.broadcast %broadcast_in_dim3A_76 : vector<16x1xf32> to vector<16x12544xf32>
    %eq3A_78 = arith.cmpf oeq, %select_n3A_73, %eq3A_77 : vector<16x12544xf32>
    %jit3A_79 = arith.constant 2147483647 : i32
    %broadcast_in_dim3A_80 = vector.broadcast %jit3A_79 : i32 to vector<16x12544xi32>
    %select_n3A_81 = arith.select %eq3A_78, %iota3A_20, %broadcast_in_dim3A_80 : vector<16x12544xi1>, vector<16x12544xi32>
    %reduce_min3A = arith.constant dense<2147483647> : vector<16xi32>
    %reduce_min3A_82 = vector.multi_reduction <minsi>, %select_n3A_81, %reduce_min3A [1] : vector<16x12544xi32> to vector<16xi32>
    %broadcast_in_dim3A_83 = vector.shape_cast %reduce_min3A_82 : vector<16xi32> to vector<16x1xi32>
    %get3A_84 = arith.constant 0 : index
    %get3A_85 = arith.constant 0 : index
    %get3A_86 = vector.load %arg13[%get3A_84, %get3A_85] : memref<16x1xf32, #tpu.memory_space<vmem>>, vector<16x1xf32>
    %gt3A = arith.cmpf ogt, %broadcast_in_dim3A_76, %get3A_86 : vector<16x1xf32>
    %mul3A_87 = arith.constant 12544 : i32
    %mul3A_88 = arith.muli %arg0, %mul3A_87 : i32
    %add3A_89 = vector.broadcast %mul3A_88 : i32 to vector<16x1xi32>
    %add3A_90 = arith.addi %add3A_89, %broadcast_in_dim3A_83 : vector<16x1xi32>
    %get3A_91 = arith.constant 0 : index
    %get3A_92 = arith.constant 0 : index
    %get3A_93 = vector.load %arg14[%get3A_91, %get3A_92] : memref<16x1xi32, #tpu.memory_space<vmem>>, vector<16x1xi32>
    %select_n3A_94 = arith.select %gt3A, %add3A_90, %get3A_93 : vector<16x1xi1>, vector<16x1xi32>
    %swap3A_95 = arith.constant 0 : index
    %swap3A_96 = arith.constant 0 : index
    %swap3A_97 = vector.load %arg14[%swap3A_95, %swap3A_96] : memref<16x1xi32, #tpu.memory_space<vmem>>, vector<16x1xi32>
    tpu.vector_store %arg14[%swap3A_95, %swap3A_96], %select_n3A_94 {strides = array<i32>} : memref<16x1xi32, #tpu.memory_space<vmem>>, vector<16x1xi32>,
    %get3A_98 = arith.constant 0 : index
    %get3A_99 = arith.constant 0 : index
    %get3A_100 = vector.load %arg13[%get3A_98, %get3A_99] : memref<16x1xf32, #tpu.memory_space<vmem>>, vector<16x1xf32>
    %select_n3A_101 = arith.select %gt3A, %broadcast_in_dim3A_76, %get3A_100 : vector<16x1xi1>, vector<16x1xf32>
    %swap3A_102 = arith.constant 0 : index
    %swap3A_103 = arith.constant 0 : index
    %swap3A_104 = vector.load %arg13[%swap3A_102, %swap3A_103] : memref<16x1xf32, #tpu.memory_space<vmem>>, vector<16x1xf32>
    tpu.vector_store %arg13[%swap3A_102, %swap3A_103], %select_n3A_101 {strides = array<i32>} : memref<16x1xf32, #tpu.memory_space<vmem>>, vector<16x1xf32>,
    %eq3A_105 = arith.constant 7 : i32
    %eq3A_106 = arith.cmpi eq, %arg0, %eq3A_105 : i32
    %convert_element_type3A_107 = arith.extui %eq3A_106 : i1 to i32
    %cond3A_108 = arith.constant 0 : i32
    %cond3A_109 = arith.cmpi ne, %convert_element_type3A_107, %cond3A_108 : i32
    scf.if %cond3A_109 {
      %get3A_110 = arith.constant 0 : index
      %get3A_111 = arith.constant 0 : index
      %get3A_112 = vector.load %arg10[%get3A_110, %get3A_111] : memref<16x1xf32, #tpu.memory_space<vmem>>, vector<16x1xf32>
      %get3A_113 = arith.constant 0 : index
      %get3A_114 = arith.constant 0 : index
      %get3A_115 = vector.load %arg11[%get3A_113, %get3A_114] : memref<16x1xf32, #tpu.memory_space<vmem>>, vector<16x1xf32>
      %log3A = math.log %get3A_115 : vector<16x1xf32>
      %add3A_116 = arith.addf %get3A_112, %log3A : vector<16x1xf32>
      %swap3A_117 = arith.constant 0 : index
      %swap3A_118 = arith.constant 0 : index
      %swap3A_119 = vector.load %arg7[%swap3A_117, %swap3A_118] : memref<16x1xf32, #tpu.memory_space<vmem>>, vector<16x1xf32>
      tpu.vector_store %arg7[%swap3A_117, %swap3A_118], %add3A_116 {strides = array<i32>} : memref<16x1xf32, #tpu.memory_space<vmem>>, vector<16x1xf32>,
      %get3A_120 = arith.constant 0 : index
      %get3A_121 = arith.constant 0 : index
      %get3A_122 = vector.load %arg14[%get3A_120, %get3A_121] : memref<16x1xi32, #tpu.memory_space<vmem>>, vector<16x1xi32>
      %swap3A_123 = arith.constant 0 : index
      %swap3A_124 = arith.constant 0 : index
      %swap3A_125 = vector.load %arg8[%swap3A_123, %swap3A_124] : memref<16x1xi32, #tpu.memory_space<vmem>>, vector<16x1xi32>
      tpu.vector_store %arg8[%swap3A_123, %swap3A_124], %get3A_122 {strides = array<i32>} : memref<16x1xi32, #tpu.memory_space<vmem>>, vector<16x1xi32>,
      %get3A_126 = arith.constant 0 : index
      %get3A_127 = arith.constant 0 : index
      %get3A_128 = vector.load %arg1[%get3A_126, %get3A_127] : memref<16x512xf32, #tpu.memory_space<vmem>>, vector<16x512xf32>
      %get3A_129 = arith.constant 0 : index
      %get3A_130 = arith.constant 0 : index
      %get3A_131 = vector.load %arg12[%get3A_129, %get3A_130] : memref<16x512xf32, #tpu.memory_space<vmem>>, vector<16x512xf32>
      %get3A_132 = arith.constant 0 : index
      %get3A_133 = arith.constant 0 : index
      %get3A_134 = vector.load %arg11[%get3A_132, %get3A_133] : memref<16x1xf32, #tpu.memory_space<vmem>>, vector<16x1xf32>
      %div3A = vector.broadcast %get3A_134 : vector<16x1xf32> to vector<16x512xf32>
      %div3A_135 = arith.divf %get3A_131, %div3A : vector<16x512xf32>
      %add3A_136 = arith.addf %get3A_128, %div3A_135 : vector<16x512xf32>
      %tanh3A = math.tanh %add3A_136 : vector<16x512xf32>
      %swap3A_137 = arith.constant 0 : index
      %swap3A_138 = arith.constant 0 : index
      %swap3A_139 = vector.load %arg9[%swap3A_137, %swap3A_138] : memref<16x512xf32, #tpu.memory_space<vmem>>, vector<16x512xf32>
      tpu.vector_store %arg9[%swap3A_137, %swap3A_138], %tanh3A {strides = array<i32>} : memref<16x512xf32, #tpu.memory_space<vmem>>, vector<16x512xf32>,
    } else {
    }
    return
  }
  func.func @transform_0(%arg0: i32) -> (i32, i32) {
    %c0_i32 = arith.constant 0 : i32
    %c0_i32_0 = arith.constant 0 : i32
    %c0_i32_1 = arith.constant 0 : i32
    return %c0_i32, %c0_i32_0 : i32, i32
  }
  func.func @transform_1(%arg0: i32) -> (i32, i32) {
    %c0_i32 = arith.constant 0 : i32
    %c0_i32_0 = arith.constant 0 : i32
    return %arg0, %c0_i32 : i32, i32
  }
  func.func @transform_2(%arg0: i32) -> (i32, i32) {
    %c0_i32 = arith.constant 0 : i32
    %c0_i32_0 = arith.constant 0 : i32
    return %c0_i32, %arg0 : i32, i32
  }
  func.func @transform_3(%arg0: i32) -> (i32, i32) {
    %c0_i32 = arith.constant 0 : i32
    %c0_i32_0 = arith.constant 0 : i32
    %c0_i32_1 = arith.constant 0 : i32
    return %c0_i32, %c0_i32_0 : i32, i32
  }
  func.func @transform_4(%arg0: i32) -> (i32, i32) {
    %c0_i32 = arith.constant 0 : i32
    %c0_i32_0 = arith.constant 0 : i32
    %c0_i32_1 = arith.constant 0 : i32
    return %c0_i32, %c0_i32_0 : i32, i32
  }
  func.func @transform_5(%arg0: i32) -> (i32, i32) {
    %c0_i32 = arith.constant 0 : i32
    %c0_i32_0 = arith.constant 0 : i32
    return %c0_i32, %arg0 : i32, i32
  }
  func.func @transform_6(%arg0: i32) -> (i32, i32) {
    %c0_i32 = arith.constant 0 : i32
    %c0_i32_0 = arith.constant 0 : i32
    %c0_i32_1 = arith.constant 0 : i32
    return %c0_i32, %c0_i32_0 : i32, i32
  }
  func.func @transform_7(%arg0: i32) -> (i32, i32) {
    %c0_i32 = arith.constant 0 : i32
    %c0_i32_0 = arith.constant 0 : i32
    %c0_i32_1 = arith.constant 0 : i32
    return %c0_i32, %c0_i32_0 : i32, i32
  }
  func.func @transform_8(%arg0: i32) -> (i32, i32) {
    %c0_i32 = arith.constant 0 : i32
    %c0_i32_0 = arith.constant 0 : i32
    %c0_i32_1 = arith.constant 0 : i32
    return %c0_i32, %c0_i32_0 : i32, i32
  }
}

module attributes {stable_mosaic.version = 14 : i64} {
  func.func @_h2_body(%arg0: memref<16x512xf32, #tpu.memory_space<vmem>>, %arg1: memref<16x4xf32, #tpu.memory_space<vmem>>, %arg2: memref<516x512xf32, #tpu.memory_space<vmem>>, %arg3: memref<1x512xf32, #tpu.memory_space<vmem>>, %arg4: memref<16x512xf32, #tpu.memory_space<vmem>>) attributes {dimension_semantics = [], scalar_prefetch = 0 : i64, scratch_operands = 0 : i64, tpu.core_type = #tpu.core_type<tc>} {
    %get3A = arith.constant 0 : index
    %get3A_0 = arith.constant 0 : index
    %get3A_1 = vector.load %arg0[%get3A, %get3A_0] : memref<16x512xf32, #tpu.memory_space<vmem>>, vector<16x512xf32>
    %get3A_2 = arith.constant 0 : index
    %get3A_3 = arith.constant 0 : index
    %get3A_4 = vector.load %arg1[%get3A_2, %get3A_3] : memref<16x4xf32, #tpu.memory_space<vmem>>, vector<16x4xf32>
    %concatenate3A = tpu.concatenate %get3A_1, %get3A_4 in 1 : vector<16x512xf32>, vector<16x4xf32> -> vector<16x516xf32>
    %get3A_5 = arith.constant 0 : index
    %get3A_6 = arith.constant 0 : index
    %get3A_7 = vector.load %arg2[%get3A_5, %get3A_6] : memref<516x512xf32, #tpu.memory_space<vmem>>, vector<516x512xf32>
    %dot_general3A = arith.constant dense<0.000000e+00> : vector<16x512xf32>
    %dot_general3A_8 = tpu.matmul %concatenate3A, %get3A_7, %dot_general3A {dimension_numbers = #tpu.dot_dimension_numbers<[1], [0], [0], [1], [0, 0, 1, 1], [], []>, transpose_lhs_hint = false} : vector<16x516xf32>, vector<516x512xf32>, vector<16x512xf32> -> vector<16x512xf32>
    %get3A_9 = arith.constant 0 : index
    %get3A_10 = arith.constant 0 : index
    %get3A_11 = vector.load %arg3[%get3A_9, %get3A_10] : memref<1x512xf32, #tpu.memory_space<vmem>>, vector<1x512xf32>
    %add3A = vector.broadcast %get3A_11 : vector<1x512xf32> to vector<16x512xf32>
    %add3A_12 = arith.addf %dot_general3A_8, %add3A : vector<16x512xf32>
    %tanh3A = math.tanh %add3A_12 : vector<16x512xf32>
    %swap3A = arith.constant 0 : index
    %swap3A_13 = arith.constant 0 : index
    %swap3A_14 = vector.load %arg4[%swap3A, %swap3A_13] : memref<16x512xf32, #tpu.memory_space<vmem>>, vector<16x512xf32>
    tpu.vector_store %arg4[%swap3A, %swap3A_13], %tanh3A {strides = array<i32>} : memref<16x512xf32, #tpu.memory_space<vmem>>, vector<16x512xf32>,
    return
  }
}

module attributes {stable_mosaic.version = 14 : i64} {
  func.func @_norm_body(%arg0: i32, %arg1: memref<16x12544xf32, #tpu.memory_space<vmem>>, %arg2: memref<16x1xf32, #tpu.memory_space<vmem>>, %arg3: memref<16x12544xf32, #tpu.memory_space<vmem>>) attributes {dimension_semantics = [#tpu.dimension_semantics<arbitrary>], iteration_bounds = array<i64: 8>, scalar_prefetch = 0 : i64, scratch_operands = 0 : i64, tpu.core_type = #tpu.core_type<tc>, window_params = [{transform_indices = @transform_0, window_bounds = array<i64: 16, 12544>}, {pipeline_mode = #tpu.pipeline_mode<synchronous>, transform_indices = @transform_1, window_bounds = array<i64: 16, 1>}, {transform_indices = @transform_2, window_bounds = array<i64: 16, 12544>}]} {
    %get3A = arith.constant 0 : index
    %get3A_0 = arith.constant 0 : index
    %get3A_1 = vector.load %arg1[%get3A, %get3A_0] : memref<16x12544xf32, #tpu.memory_space<vmem>>, vector<16x12544xf32>
    %get3A_2 = arith.constant 0 : index
    %get3A_3 = arith.constant 0 : index
    %get3A_4 = vector.load %arg2[%get3A_2, %get3A_3] : memref<16x1xf32, #tpu.memory_space<vmem>>, vector<16x1xf32>
    %sub3A = vector.broadcast %get3A_4 : vector<16x1xf32> to vector<16x12544xf32>
    %sub3A_5 = arith.subf %get3A_1, %sub3A : vector<16x12544xf32>
    %exp3A = math.exp %sub3A_5 : vector<16x12544xf32>
    %swap3A = arith.constant 0 : index
    %swap3A_6 = arith.constant 0 : index
    %swap3A_7 = vector.load %arg3[%swap3A, %swap3A_6] : memref<16x12544xf32, #tpu.memory_space<vmem>>, vector<16x12544xf32>
    tpu.vector_store %arg3[%swap3A, %swap3A_6], %exp3A {strides = array<i32>} : memref<16x12544xf32, #tpu.memory_space<vmem>>, vector<16x12544xf32>,
    return
  }
  func.func @transform_0(%arg0: i32) -> (i32, i32) {
    %c0_i32 = arith.constant 0 : i32
    %c0_i32_0 = arith.constant 0 : i32
    return %c0_i32, %arg0 : i32, i32
  }
  func.func @transform_1(%arg0: i32) -> (i32, i32) {
    %c0_i32 = arith.constant 0 : i32
    %c0_i32_0 = arith.constant 0 : i32
    %c0_i32_1 = arith.constant 0 : i32
    return %c0_i32, %c0_i32_0 : i32, i32
  }
  func.func @transform_2(%arg0: i32) -> (i32, i32) {
    %c0_i32 = arith.constant 0 : i32
    %c0_i32_0 = arith.constant 0 : i32
    return %c0_i32, %arg0 : i32, i32
  }
}

module attributes {stable_mosaic.version = 14 : i64} {
  func.func @_gat_body(%arg0: i32, %arg1: memref<1x256x128xf32, #tpu.memory_space<vmem>>, %arg2: memref<1x1x256xi32, #tpu.memory_space<vmem>>, %arg3: memref<4x128xf32, #tpu.memory_space<vmem>>, %arg4: memref<1x256x256xi32, #tpu.memory_space<vmem>>, %arg5: memref<1x256x256xi32, #tpu.memory_space<vmem>>, %arg6: memref<1x16xf32, #tpu.memory_space<vmem>>, %arg7: memref<128x128xf32, #tpu.memory_space<vmem>>, %arg8: memref<1x128xf32, #tpu.memory_space<vmem>>, %arg9: memref<1x128xf32, #tpu.memory_space<vmem>>, %arg10: memref<1x256x128xf32, #tpu.memory_space<vmem>>) attributes {dimension_semantics = [#tpu.dimension_semantics<arbitrary>], iteration_bounds = array<i64: 16>, scalar_prefetch = 0 : i64, scratch_operands = 0 : i64, tpu.core_type = #tpu.core_type<tc>, window_params = [{transform_indices = @transform_0, window_bounds = array<i64: 1, 256, 128>}, {transform_indices = @transform_1, window_bounds = array<i64: 1, 1, 256>}, {pipeline_mode = #tpu.pipeline_mode<synchronous>, transform_indices = @transform_2, window_bounds = array<i64: 4, 128>}, {transform_indices = @transform_3, window_bounds = array<i64: 1, 256, 256>}, {transform_indices = @transform_4, window_bounds = array<i64: 1, 256, 256>}, {pipeline_mode = #tpu.pipeline_mode<synchronous>, transform_indices = @transform_5, window_bounds = array<i64: 1, 16>}, {pipeline_mode = #tpu.pipeline_mode<synchronous>, transform_indices = @transform_6, window_bounds = array<i64: 128, 128>}, {pipeline_mode = #tpu.pipeline_mode<synchronous>, transform_indices = @transform_7, window_bounds = array<i64: 1, 128>}, {pipeline_mode = #tpu.pipeline_mode<synchronous>, transform_indices = @transform_8, window_bounds = array<i64: 1, 128>}, {transform_indices = @transform_9, window_bounds = array<i64: 1, 256, 128>}]} {
    %get3A = arith.constant 0 : index
    %get3A_0 = arith.constant 0 : index
    %get3A_1 = arith.constant 0 : index
    %get3A_2 = vector.load %arg2[%get3A, %get3A_0, %get3A_1] : memref<1x1x256xi32, #tpu.memory_space<vmem>>, vector<1x1x256xi32>
    %get3A_3 = vector.shape_cast %get3A_2 : vector<1x1x256xi32> to vector<1x256xi32>
    %iota3A = tpu.iota {dimensions = array<i32: 0>} : vector<4x256xi32>
    %eq3A = vector.broadcast %get3A_3 : vector<1x256xi32> to vector<4x256xi32>
    %eq3A_4 = arith.cmpi eq, %iota3A, %eq3A : vector<4x256xi32>
    %convert_element_type3A = arith.extui %eq3A_4 : vector<4x256xi1> to vector<4x256xi32>
    %convert_element_type3A_5 = arith.sitofp %convert_element_type3A : vector<4x256xi32> to vector<4x256xf32>
    %get3A_6 = arith.constant 0 : index
    %get3A_7 = arith.constant 0 : index
    %get3A_8 = vector.load %arg3[%get3A_6, %get3A_7] : memref<4x128xf32, #tpu.memory_space<vmem>>, vector<4x128xf32>
    %dot_general3A = arith.constant dense<0.000000e+00> : vector<256x128xf32>
    %dot_general3A_9 = tpu.matmul %convert_element_type3A_5, %get3A_8, %dot_general3A {dimension_numbers = #tpu.dot_dimension_numbers<[0], [0], [1], [1], [0, 1, 1, 1], [], []>, transpose_lhs_hint = false} : vector<4x256xf32>, vector<4x128xf32>, vector<256x128xf32> -> vector<256x128xf32>
    %get3A_10 = arith.constant 0 : index
    %get3A_11 = arith.constant 0 : index
    %get3A_12 = arith.constant 0 : index
    %get3A_13 = vector.load %arg1[%get3A_10, %get3A_11, %get3A_12] : memref<1x256x128xf32, #tpu.memory_space<vmem>>, vector<1x256x128xf32>
    %get3A_14 = vector.shape_cast %get3A_13 : vector<1x256x128xf32> to vector<256x128xf32>
    %add3A = arith.addf %get3A_14, %dot_general3A_9 : vector<256x128xf32>
    %get3A_15 = arith.constant 0 : index
    %get3A_16 = arith.constant 0 : index
    %get3A_17 = vector.load %arg7[%get3A_15, %get3A_16] : memref<128x128xf32, #tpu.memory_space<vmem>>, vector<128x128xf32>
    %dot_general3A_18 = arith.constant dense<0.000000e+00> : vector<256x128xf32>
    %dot_general3A_19 = tpu.matmul %add3A, %get3A_17, %dot_general3A_18 {dimension_numbers = #tpu.dot_dimension_numbers<[1], [0], [0], [1], [0, 0, 1, 1], [], []>, transpose_lhs_hint = false} : vector<256x128xf32>, vector<128x128xf32>, vector<256x128xf32> -> vector<256x128xf32>
    %get3A_20 = arith.constant 0 : index
    %get3A_21 = arith.constant 0 : index
    %get3A_22 = vector.load %arg8[%get3A_20, %get3A_21] : memref<1x128xf32, #tpu.memory_space<vmem>>, vector<1x128xf32>
    %mul3A = vector.broadcast %get3A_22 : vector<1x128xf32> to vector<256x128xf32>
    %mul3A_23 = arith.mulf %dot_general3A_19, %mul3A : vector<256x128xf32>
    %reduce_sum3A = arith.constant dense<0.000000e+00> : vector<256xf32>
    %reduce_sum3A_24 = vector.multi_reduction <add>, %mul3A_23, %reduce_sum3A [1] : vector<256x128xf32> to vector<256xf32>
    %broadcast_in_dim3A = vector.shape_cast %reduce_sum3A_24 : vector<256xf32> to vector<256x1xf32>
    %get3A_25 = arith.constant 0 : index
    %get3A_26 = arith.constant 0 : index
    %get3A_27 = vector.load %arg9[%get3A_25, %get3A_26] : memref<1x128xf32, #tpu.memory_space<vmem>>, vector<1x128xf32>
    %mul3A_28 = vector.broadcast %get3A_27 : vector<1x128xf32> to vector<256x128xf32>
    %mul3A_29 = arith.mulf %dot_general3A_19, %mul3A_28 : vector<256x128xf32>
    %reduce_sum3A_30 = arith.constant dense<0.000000e+00> : vector<256xf32>
    %reduce_sum3A_31 = vector.multi_reduction <add>, %mul3A_29, %reduce_sum3A_30 [1] : vector<256x128xf32> to vector<256xf32>
    %broadcast_in_dim3A_32 = vector.shape_cast %reduce_sum3A_31 : vector<256xf32> to vector<256x1xf32>
    %get3A_33 = arith.constant 0 : index
    %get3A_34 = arith.constant 0 : index
    %get3A_35 = arith.constant 0 : index
    %get3A_36 = vector.load %arg5[%get3A_33, %get3A_34, %get3A_35] : memref<1x256x256xi32, #tpu.memory_space<vmem>>, vector<1x256x256xi32>
    %get3A_37 = vector.shape_cast %get3A_36 : vector<1x256x256xi32> to vector<256x256xi32>
    %broadcast_in_dim3A_38 = arith.constant 0.000000e+00 : f32
    %broadcast_in_dim3A_39 = vector.broadcast %broadcast_in_dim3A_38 : f32 to vector<256x256xf32>
    %eq3A_40 = arith.constant 0 : i32
    %eq3A_41 = vector.broadcast %eq3A_40 : i32 to vector<256x256xi32>
    %eq3A_42 = arith.cmpi eq, %get3A_37, %eq3A_41 : vector<256x256xi32>
    %get3A_43 = arith.constant 0 : index
    %get3A_44 = arith.constant 0 : index
    %get3A_45 = vector.load %arg6[%get3A_43, %get3A_44] : memref<1x16xf32, #tpu.memory_space<vmem>>, vector<1x1xf32>
    %get3A_46 = vector.extract %get3A_45[0, 0] : f32 from vector<1x1xf32>
    %jit3A = arith.constant 0.000000e+00 : f32
    %broadcast_in_dim3A_47 = vector.broadcast %get3A_46 : f32 to vector<256x256xf32>
    %broadcast_in_dim3A_48 = vector.broadcast %jit3A : f32 to vector<256x256xf32>
    %select_n3A = arith.select %eq3A_42, %broadcast_in_dim3A_47, %broadcast_in_dim3A_48 : vector<256x256xi1>, vector<256x256xf32>
    %add3A_49 = arith.addf %broadcast_in_dim3A_39, %select_n3A : vector<256x256xf32>
    %eq3A_50 = arith.constant 1 : i32
    %eq3A_51 = vector.broadcast %eq3A_50 : i32 to vector<256x256xi32>
    %eq3A_52 = arith.cmpi eq, %get3A_37, %eq3A_51 : vector<256x256xi32>
    %get3A_53 = arith.constant 0 : index
    %get3A_54 = arith.constant 1 : index
    %get3A_55 = vector.load %arg6[%get3A_53, %get3A_54] : memref<1x16xf32, #tpu.memory_space<vmem>>, vector<1x1xf32>
    %get3A_56 = vector.extract %get3A_55[0, 0] : f32 from vector<1x1xf32>
    %jit3A_57 = arith.constant 0.000000e+00 : f32
    %broadcast_in_dim3A_58 = vector.broadcast %get3A_56 : f32 to vector<256x256xf32>
    %broadcast_in_dim3A_59 = vector.broadcast %jit3A_57 : f32 to vector<256x256xf32>
    %select_n3A_60 = arith.select %eq3A_52, %broadcast_in_dim3A_58, %broadcast_in_dim3A_59 : vector<256x256xi1>, vector<256x256xf32>
    %add3A_61 = arith.addf %add3A_49, %select_n3A_60 : vector<256x256xf32>
    %eq3A_62 = arith.constant 2 : i32
    %eq3A_63 = vector.broadcast %eq3A_62 : i32 to vector<256x256xi32>
    %eq3A_64 = arith.cmpi eq, %get3A_37, %eq3A_63 : vector<256x256xi32>
    %get3A_65 = arith.constant 0 : index
    %get3A_66 = arith.constant 2 : index
    %get3A_67 = vector.load %arg6[%get3A_65, %get3A_66] : memref<1x16xf32, #tpu.memory_space<vmem>>, vector<1x1xf32>
    %get3A_68 = vector.extract %get3A_67[0, 0] : f32 from vector<1x1xf32>
    %jit3A_69 = arith.constant 0.000000e+00 : f32
    %broadcast_in_dim3A_70 = vector.broadcast %get3A_68 : f32 to vector<256x256xf32>
    %broadcast_in_dim3A_71 = vector.broadcast %jit3A_69 : f32 to vector<256x256xf32>
    %select_n3A_72 = arith.select %eq3A_64, %broadcast_in_dim3A_70, %broadcast_in_dim3A_71 : vector<256x256xi1>, vector<256x256xf32>
    %add3A_73 = arith.addf %add3A_61, %select_n3A_72 : vector<256x256xf32>
    %eq3A_74 = arith.constant 3 : i32
    %eq3A_75 = vector.broadcast %eq3A_74 : i32 to vector<256x256xi32>
    %eq3A_76 = arith.cmpi eq, %get3A_37, %eq3A_75 : vector<256x256xi32>
    %get3A_77 = arith.constant 0 : index
    %get3A_78 = arith.constant 3 : index
    %get3A_79 = vector.load %arg6[%get3A_77, %get3A_78] : memref<1x16xf32, #tpu.memory_space<vmem>>, vector<1x1xf32>
    %get3A_80 = vector.extract %get3A_79[0, 0] : f32 from vector<1x1xf32>
    %jit3A_81 = arith.constant 0.000000e+00 : f32
    %broadcast_in_dim3A_82 = vector.broadcast %get3A_80 : f32 to vector<256x256xf32>
    %broadcast_in_dim3A_83 = vector.broadcast %jit3A_81 : f32 to vector<256x256xf32>
    %select_n3A_84 = arith.select %eq3A_76, %broadcast_in_dim3A_82, %broadcast_in_dim3A_83 : vector<256x256xi1>, vector<256x256xf32>
    %add3A_85 = arith.addf %add3A_73, %select_n3A_84 : vector<256x256xf32>
    %eq3A_86 = arith.constant 4 : i32
    %eq3A_87 = vector.broadcast %eq3A_86 : i32 to vector<256x256xi32>
    %eq3A_88 = arith.cmpi eq, %get3A_37, %eq3A_87 : vector<256x256xi32>
    %get3A_89 = arith.constant 0 : index
    %get3A_90 = arith.constant 4 : index
    %get3A_91 = vector.load %arg6[%get3A_89, %get3A_90] : memref<1x16xf32, #tpu.memory_space<vmem>>, vector<1x1xf32>
    %get3A_92 = vector.extract %get3A_91[0, 0] : f32 from vector<1x1xf32>
    %jit3A_93 = arith.constant 0.000000e+00 : f32
    %broadcast_in_dim3A_94 = vector.broadcast %get3A_92 : f32 to vector<256x256xf32>
    %broadcast_in_dim3A_95 = vector.broadcast %jit3A_93 : f32 to vector<256x256xf32>
    %select_n3A_96 = arith.select %eq3A_88, %broadcast_in_dim3A_94, %broadcast_in_dim3A_95 : vector<256x256xi1>, vector<256x256xf32>
    %add3A_97 = arith.addf %add3A_85, %select_n3A_96 : vector<256x256xf32>
    %eq3A_98 = arith.constant 5 : i32
    %eq3A_99 = vector.broadcast %eq3A_98 : i32 to vector<256x256xi32>
    %eq3A_100 = arith.cmpi eq, %get3A_37, %eq3A_99 : vector<256x256xi32>
    %get3A_101 = arith.constant 0 : index
    %get3A_102 = arith.constant 5 : index
    %get3A_103 = vector.load %arg6[%get3A_101, %get3A_102] : memref<1x16xf32, #tpu.memory_space<vmem>>, vector<1x1xf32>
    %get3A_104 = vector.extract %get3A_103[0, 0] : f32 from vector<1x1xf32>
    %jit3A_105 = arith.constant 0.000000e+00 : f32
    %broadcast_in_dim3A_106 = vector.broadcast %get3A_104 : f32 to vector<256x256xf32>
    %broadcast_in_dim3A_107 = vector.broadcast %jit3A_105 : f32 to vector<256x256xf32>
    %select_n3A_108 = arith.select %eq3A_100, %broadcast_in_dim3A_106, %broadcast_in_dim3A_107 : vector<256x256xi1>, vector<256x256xf32>
    %add3A_109 = arith.addf %add3A_97, %select_n3A_108 : vector<256x256xf32>
    %eq3A_110 = arith.constant 6 : i32
    %eq3A_111 = vector.broadcast %eq3A_110 : i32 to vector<256x256xi32>
    %eq3A_112 = arith.cmpi eq, %get3A_37, %eq3A_111 : vector<256x256xi32>
    %get3A_113 = arith.constant 0 : index
    %get3A_114 = arith.constant 6 : index
    %get3A_115 = vector.load %arg6[%get3A_113, %get3A_114] : memref<1x16xf32, #tpu.memory_space<vmem>>, vector<1x1xf32>
    %get3A_116 = vector.extract %get3A_115[0, 0] : f32 from vector<1x1xf32>
    %jit3A_117 = arith.constant 0.000000e+00 : f32
    %broadcast_in_dim3A_118 = vector.broadcast %get3A_116 : f32 to vector<256x256xf32>
    %broadcast_in_dim3A_119 = vector.broadcast %jit3A_117 : f32 to vector<256x256xf32>
    %select_n3A_120 = arith.select %eq3A_112, %broadcast_in_dim3A_118, %broadcast_in_dim3A_119 : vector<256x256xi1>, vector<256x256xf32>
    %add3A_121 = arith.addf %add3A_109, %select_n3A_120 : vector<256x256xf32>
    %eq3A_122 = arith.constant 7 : i32
    %eq3A_123 = vector.broadcast %eq3A_122 : i32 to vector<256x256xi32>
    %eq3A_124 = arith.cmpi eq, %get3A_37, %eq3A_123 : vector<256x256xi32>
    %get3A_125 = arith.constant 0 : index
    %get3A_126 = arith.constant 7 : index
    %get3A_127 = vector.load %arg6[%get3A_125, %get3A_126] : memref<1x16xf32, #tpu.memory_space<vmem>>, vector<1x1xf32>
    %get3A_128 = vector.extract %get3A_127[0, 0] : f32 from vector<1x1xf32>
    %jit3A_129 = arith.constant 0.000000e+00 : f32
    %broadcast_in_dim3A_130 = vector.broadcast %get3A_128 : f32 to vector<256x256xf32>
    %broadcast_in_dim3A_131 = vector.broadcast %jit3A_129 : f32 to vector<256x256xf32>
    %select_n3A_132 = arith.select %eq3A_124, %broadcast_in_dim3A_130, %broadcast_in_dim3A_131 : vector<256x256xi1>, vector<256x256xf32>
    %add3A_133 = arith.addf %add3A_121, %select_n3A_132 : vector<256x256xf32>
    %eq3A_134 = arith.constant 8 : i32
    %eq3A_135 = vector.broadcast %eq3A_134 : i32 to vector<256x256xi32>
    %eq3A_136 = arith.cmpi eq, %get3A_37, %eq3A_135 : vector<256x256xi32>
    %get3A_137 = arith.constant 0 : index
    %get3A_138 = arith.constant 8 : index
    %get3A_139 = vector.load %arg6[%get3A_137, %get3A_138] : memref<1x16xf32, #tpu.memory_space<vmem>>, vector<1x1xf32>
    %get3A_140 = vector.extract %get3A_139[0, 0] : f32 from vector<1x1xf32>
    %jit3A_141 = arith.constant 0.000000e+00 : f32
    %broadcast_in_dim3A_142 = vector.broadcast %get3A_140 : f32 to vector<256x256xf32>
    %broadcast_in_dim3A_143 = vector.broadcast %jit3A_141 : f32 to vector<256x256xf32>
    %select_n3A_144 = arith.select %eq3A_136, %broadcast_in_dim3A_142, %broadcast_in_dim3A_143 : vector<256x256xi1>, vector<256x256xf32>
    %add3A_145 = arith.addf %add3A_133, %select_n3A_144 : vector<256x256xf32>
    %eq3A_146 = arith.constant 9 : i32
    %eq3A_147 = vector.broadcast %eq3A_146 : i32 to vector<256x256xi32>
    %eq3A_148 = arith.cmpi eq, %get3A_37, %eq3A_147 : vector<256x256xi32>
    %get3A_149 = arith.constant 0 : index
    %get3A_150 = arith.constant 9 : index
    %get3A_151 = vector.load %arg6[%get3A_149, %get3A_150] : memref<1x16xf32, #tpu.memory_space<vmem>>, vector<1x1xf32>
    %get3A_152 = vector.extract %get3A_151[0, 0] : f32 from vector<1x1xf32>
    %jit3A_153 = arith.constant 0.000000e+00 : f32
    %broadcast_in_dim3A_154 = vector.broadcast %get3A_152 : f32 to vector<256x256xf32>
    %broadcast_in_dim3A_155 = vector.broadcast %jit3A_153 : f32 to vector<256x256xf32>
    %select_n3A_156 = arith.select %eq3A_148, %broadcast_in_dim3A_154, %broadcast_in_dim3A_155 : vector<256x256xi1>, vector<256x256xf32>
    %add3A_157 = arith.addf %add3A_145, %select_n3A_156 : vector<256x256xf32>
    %eq3A_158 = arith.constant 10 : i32
    %eq3A_159 = vector.broadcast %eq3A_158 : i32 to vector<256x256xi32>
    %eq3A_160 = arith.cmpi eq, %get3A_37, %eq3A_159 : vector<256x256xi32>
    %get3A_161 = arith.constant 0 : index
    %get3A_162 = arith.constant 10 : index
    %get3A_163 = vector.load %arg6[%get3A_161, %get3A_162] : memref<1x16xf32, #tpu.memory_space<vmem>>, vector<1x1xf32>
    %get3A_164 = vector.extract %get3A_163[0, 0] : f32 from vector<1x1xf32>
    %jit3A_165 = arith.constant 0.000000e+00 : f32
    %broadcast_in_dim3A_166 = vector.broadcast %get3A_164 : f32 to vector<256x256xf32>
    %broadcast_in_dim3A_167 = vector.broadcast %jit3A_165 : f32 to vector<256x256xf32>
    %select_n3A_168 = arith.select %eq3A_160, %broadcast_in_dim3A_166, %broadcast_in_dim3A_167 : vector<256x256xi1>, vector<256x256xf32>
    %add3A_169 = arith.addf %add3A_157, %select_n3A_168 : vector<256x256xf32>
    %eq3A_170 = arith.constant 11 : i32
    %eq3A_171 = vector.broadcast %eq3A_170 : i32 to vector<256x256xi32>
    %eq3A_172 = arith.cmpi eq, %get3A_37, %eq3A_171 : vector<256x256xi32>
    %get3A_173 = arith.constant 0 : index
    %get3A_174 = arith.constant 11 : index
    %get3A_175 = vector.load %arg6[%get3A_173, %get3A_174] : memref<1x16xf32, #tpu.memory_space<vmem>>, vector<1x1xf32>
    %get3A_176 = vector.extract %get3A_175[0, 0] : f32 from vector<1x1xf32>
    %jit3A_177 = arith.constant 0.000000e+00 : f32
    %broadcast_in_dim3A_178 = vector.broadcast %get3A_176 : f32 to vector<256x256xf32>
    %broadcast_in_dim3A_179 = vector.broadcast %jit3A_177 : f32 to vector<256x256xf32>
    %select_n3A_180 = arith.select %eq3A_172, %broadcast_in_dim3A_178, %broadcast_in_dim3A_179 : vector<256x256xi1>, vector<256x256xf32>
    %add3A_181 = arith.addf %add3A_169, %select_n3A_180 : vector<256x256xf32>
    %eq3A_182 = arith.constant 12 : i32
    %eq3A_183 = vector.broadcast %eq3A_182 : i32 to vector<256x256xi32>
    %eq3A_184 = arith.cmpi eq, %get3A_37, %eq3A_183 : vector<256x256xi32>
    %get3A_185 = arith.constant 0 : index
    %get3A_186 = arith.constant 12 : index
    %get3A_187 = vector.load %arg6[%get3A_185, %get3A_186] : memref<1x16xf32, #tpu.memory_space<vmem>>, vector<1x1xf32>
    %get3A_188 = vector.extract %get3A_187[0, 0] : f32 from vector<1x1xf32>
    %jit3A_189 = arith.constant 0.000000e+00 : f32
    %broadcast_in_dim3A_190 = vector.broadcast %get3A_188 : f32 to vector<256x256xf32>
    %broadcast_in_dim3A_191 = vector.broadcast %jit3A_189 : f32 to vector<256x256xf32>
    %select_n3A_192 = arith.select %eq3A_184, %broadcast_in_dim3A_190, %broadcast_in_dim3A_191 : vector<256x256xi1>, vector<256x256xf32>
    %add3A_193 = arith.addf %add3A_181, %select_n3A_192 : vector<256x256xf32>
    %eq3A_194 = arith.constant 13 : i32
    %eq3A_195 = vector.broadcast %eq3A_194 : i32 to vector<256x256xi32>
    %eq3A_196 = arith.cmpi eq, %get3A_37, %eq3A_195 : vector<256x256xi32>
    %get3A_197 = arith.constant 0 : index
    %get3A_198 = arith.constant 13 : index
    %get3A_199 = vector.load %arg6[%get3A_197, %get3A_198] : memref<1x16xf32, #tpu.memory_space<vmem>>, vector<1x1xf32>
    %get3A_200 = vector.extract %get3A_199[0, 0] : f32 from vector<1x1xf32>
    %jit3A_201 = arith.constant 0.000000e+00 : f32
    %broadcast_in_dim3A_202 = vector.broadcast %get3A_200 : f32 to vector<256x256xf32>
    %broadcast_in_dim3A_203 = vector.broadcast %jit3A_201 : f32 to vector<256x256xf32>
    %select_n3A_204 = arith.select %eq3A_196, %broadcast_in_dim3A_202, %broadcast_in_dim3A_203 : vector<256x256xi1>, vector<256x256xf32>
    %add3A_205 = arith.addf %add3A_193, %select_n3A_204 : vector<256x256xf32>
    %eq3A_206 = arith.constant 14 : i32
    %eq3A_207 = vector.broadcast %eq3A_206 : i32 to vector<256x256xi32>
    %eq3A_208 = arith.cmpi eq, %get3A_37, %eq3A_207 : vector<256x256xi32>
    %get3A_209 = arith.constant 0 : index
    %get3A_210 = arith.constant 14 : index
    %get3A_211 = vector.load %arg6[%get3A_209, %get3A_210] : memref<1x16xf32, #tpu.memory_space<vmem>>, vector<1x1xf32>
    %get3A_212 = vector.extract %get3A_211[0, 0] : f32 from vector<1x1xf32>
    %jit3A_213 = arith.constant 0.000000e+00 : f32
    %broadcast_in_dim3A_214 = vector.broadcast %get3A_212 : f32 to vector<256x256xf32>
    %broadcast_in_dim3A_215 = vector.broadcast %jit3A_213 : f32 to vector<256x256xf32>
    %select_n3A_216 = arith.select %eq3A_208, %broadcast_in_dim3A_214, %broadcast_in_dim3A_215 : vector<256x256xi1>, vector<256x256xf32>
    %add3A_217 = arith.addf %add3A_205, %select_n3A_216 : vector<256x256xf32>
    %eq3A_218 = arith.constant 15 : i32
    %eq3A_219 = vector.broadcast %eq3A_218 : i32 to vector<256x256xi32>
    %eq3A_220 = arith.cmpi eq, %get3A_37, %eq3A_219 : vector<256x256xi32>
    %get3A_221 = arith.constant 0 : index
    %get3A_222 = arith.constant 15 : index
    %get3A_223 = vector.load %arg6[%get3A_221, %get3A_222] : memref<1x16xf32, #tpu.memory_space<vmem>>, vector<1x1xf32>
    %get3A_224 = vector.extract %get3A_223[0, 0] : f32 from vector<1x1xf32>
    %jit3A_225 = arith.constant 0.000000e+00 : f32
    %broadcast_in_dim3A_226 = vector.broadcast %get3A_224 : f32 to vector<256x256xf32>
    %broadcast_in_dim3A_227 = vector.broadcast %jit3A_225 : f32 to vector<256x256xf32>
    %select_n3A_228 = arith.select %eq3A_220, %broadcast_in_dim3A_226, %broadcast_in_dim3A_227 : vector<256x256xi1>, vector<256x256xf32>
    %add3A_229 = arith.addf %add3A_217, %select_n3A_228 : vector<256x256xf32>
    %reshape3A = vector.shape_cast %broadcast_in_dim3A_32 : vector<256x1xf32> to vector<1x256xf32>
    %add3A_230 = vector.broadcast %broadcast_in_dim3A : vector<256x1xf32> to vector<256x256xf32>
    %add3A_231 = vector.broadcast %reshape3A : vector<1x256xf32> to vector<256x256xf32>
    %add3A_232 = arith.addf %add3A_230, %add3A_231 : vector<256x256xf32>
    %add3A_233 = arith.addf %add3A_232, %add3A_229 : vector<256x256xf32>
    %ge3A = arith.constant 0.000000e+00 : f32
    %ge3A_234 = vector.broadcast %ge3A : f32 to vector<256x256xf32>
    %ge3A_235 = arith.cmpf oge, %add3A_233, %ge3A_234 : vector<256x256xf32>
    %mul3A_236 = arith.constant 2.000000e-01 : f32
    %mul3A_237 = vector.broadcast %mul3A_236 : f32 to vector<256x256xf32>
    %mul3A_238 = arith.mulf %mul3A_237, %add3A_233 : vector<256x256xf32>
    %select_n3A_239 = arith.select %ge3A_235, %add3A_233, %mul3A_238 : vector<256x256xi1>, vector<256x256xf32>
    %get3A_240 = arith.constant 0 : index
    %get3A_241 = arith.constant 0 : index
    %get3A_242 = arith.constant 0 : index
    %get3A_243 = vector.load %arg4[%get3A_240, %get3A_241, %get3A_242] : memref<1x256x256xi32, #tpu.memory_space<vmem>>, vector<1x256x256xi32>
    %get3A_244 = vector.shape_cast %get3A_243 : vector<1x256x256xi32> to vector<256x256xi32>
    %gt3A = arith.constant 0 : i32
    %gt3A_245 = vector.broadcast %gt3A : i32 to vector<256x256xi32>
    %gt3A_246 = arith.cmpi sgt, %get3A_244, %gt3A_245 : vector<256x256xi32>
    %jit3A_247 = arith.constant -1.000000e+09 : f32
    %broadcast_in_dim3A_248 = vector.broadcast %jit3A_247 : f32 to vector<256x256xf32>
    %select_n3A_249 = arith.select %gt3A_246, %select_n3A_239, %broadcast_in_dim3A_248 : vector<256x256xi1>, vector<256x256xf32>
    %reduce_max3A = arith.constant dense<0xFF800000> : vector<256xf32>
    %reduce_max3A_250 = vector.multi_reduction <maximumf>, %select_n3A_249, %reduce_max3A [1] : vector<256x256xf32> to vector<256xf32>
    %broadcast_in_dim3A_251 = vector.shape_cast %reduce_max3A_250 : vector<256xf32> to vector<256x1xf32>
    %sub3A = vector.broadcast %broadcast_in_dim3A_251 : vector<256x1xf32> to vector<256x256xf32>
    %sub3A_252 = arith.subf %select_n3A_249, %sub3A : vector<256x256xf32>
    %exp3A = math.exp %sub3A_252 : vector<256x256xf32>
    %reduce_sum3A_253 = arith.constant dense<0.000000e+00> : vector<256xf32>
    %reduce_sum3A_254 = vector.multi_reduction <add>, %exp3A, %reduce_sum3A_253 [1] : vector<256x256xf32> to vector<256xf32>
    %broadcast_in_dim3A_255 = vector.shape_cast %reduce_sum3A_254 : vector<256xf32> to vector<256x1xf32>
    %div3A = vector.broadcast %broadcast_in_dim3A_255 : vector<256x1xf32> to vector<256x256xf32>
    %div3A_256 = arith.divf %exp3A, %div3A : vector<256x256xf32>
    %dot_general3A_257 = arith.constant dense<0.000000e+00> : vector<256x128xf32>
    %dot_general3A_258 = tpu.matmul %div3A_256, %dot_general3A_19, %dot_general3A_257 {dimension_numbers = #tpu.dot_dimension_numbers<[1], [0], [0], [1], [0, 0, 1, 1], [], []>, transpose_lhs_hint = false} : vector<256x256xf32>, vector<256x128xf32>, vector<256x128xf32> -> vector<256x128xf32>
    %gt3A_259 = arith.constant 0.000000e+00 : f32
    %gt3A_260 = vector.broadcast %gt3A_259 : f32 to vector<256x128xf32>
    %gt3A_261 = arith.cmpf ogt, %dot_general3A_258, %gt3A_260 : vector<256x128xf32>
    %exp3A_262 = math.exp %dot_general3A_258 : vector<256x128xf32>
    %sub3A_263 = arith.constant 1.000000e+00 : f32
    %sub3A_264 = vector.broadcast %sub3A_263 : f32 to vector<256x128xf32>
    %sub3A_265 = arith.subf %exp3A_262, %sub3A_264 : vector<256x128xf32>
    %select_n3A_266 = arith.select %gt3A_261, %dot_general3A_258, %sub3A_265 : vector<256x128xi1>, vector<256x128xf32>
    %swap3A = arith.constant 0 : index
    %swap3A_267 = arith.constant 0 : index
    %swap3A_268 = arith.constant 0 : index
    %swap3A_269 = vector.load %arg10[%swap3A, %swap3A_267, %swap3A_268] : memref<1x256x128xf32, #tpu.memory_space<vmem>>, vector<1x256x128xf32>
    %swap3A_270 = vector.shape_cast %swap3A_269 : vector<1x256x128xf32> to vector<256x128xf32>
    %swap3A_271 = vector.shape_cast %select_n3A_266 : vector<256x128xf32> to vector<1x256x128xf32>
    tpu.vector_store %arg10[%swap3A, %swap3A_267, %swap3A_268], %swap3A_271 {strides = array<i32>} : memref<1x256x128xf32, #tpu.memory_space<vmem>>, vector<1x256x128xf32>,
    return
  }
  func.func @transform_0(%arg0: i32) -> (i32, i32, i32) {
    %c0_i32 = arith.constant 0 : i32
    %c0_i32_0 = arith.constant 0 : i32
    %c0_i32_1 = arith.constant 0 : i32
    return %arg0, %c0_i32, %c0_i32_0 : i32, i32, i32
  }
  func.func @transform_1(%arg0: i32) -> (i32, i32, i32) {
    %c0_i32 = arith.constant 0 : i32
    %c0_i32_0 = arith.constant 0 : i32
    %c0_i32_1 = arith.constant 0 : i32
    return %arg0, %c0_i32, %c0_i32_0 : i32, i32, i32
  }
  func.func @transform_2(%arg0: i32) -> (i32, i32) {
    %c0_i32 = arith.constant 0 : i32
    %c0_i32_0 = arith.constant 0 : i32
    %c0_i32_1 = arith.constant 0 : i32
    return %c0_i32, %c0_i32_0 : i32, i32
  }
  func.func @transform_3(%arg0: i32) -> (i32, i32, i32) {
    %c0_i32 = arith.constant 0 : i32
    %c0_i32_0 = arith.constant 0 : i32
    %c0_i32_1 = arith.constant 0 : i32
    return %arg0, %c0_i32, %c0_i32_0 : i32, i32, i32
  }
  func.func @transform_4(%arg0: i32) -> (i32, i32, i32) {
    %c0_i32 = arith.constant 0 : i32
    %c0_i32_0 = arith.constant 0 : i32
    %c0_i32_1 = arith.constant 0 : i32
    return %arg0, %c0_i32, %c0_i32_0 : i32, i32, i32
  }
  func.func @transform_5(%arg0: i32) -> (i32, i32) {
    %c0_i32 = arith.constant 0 : i32
    %c0_i32_0 = arith.constant 0 : i32
    %c0_i32_1 = arith.constant 0 : i32
    return %c0_i32, %c0_i32_0 : i32, i32
  }
  func.func @transform_6(%arg0: i32) -> (i32, i32) {
    %c0_i32 = arith.constant 0 : i32
    %c0_i32_0 = arith.constant 0 : i32
    %c0_i32_1 = arith.constant 0 : i32
    return %c0_i32, %c0_i32_0 : i32, i32
  }
  func.func @transform_7(%arg0: i32) -> (i32, i32) {
    %c0_i32 = arith.constant 0 : i32
    %c0_i32_0 = arith.constant 0 : i32
    %c0_i32_1 = arith.constant 0 : i32
    return %c0_i32, %c0_i32_0 : i32, i32
  }
  func.func @transform_8(%arg0: i32) -> (i32, i32) {
    %c0_i32 = arith.constant 0 : i32
    %c0_i32_0 = arith.constant 0 : i32
    %c0_i32_1 = arith.constant 0 : i32
    return %c0_i32, %c0_i32_0 : i32, i32
  }
  func.func @transform_9(%arg0: i32) -> (i32, i32, i32) {
    %c0_i32 = arith.constant 0 : i32
    %c0_i32_0 = arith.constant 0 : i32
    %c0_i32_1 = arith.constant 0 : i32
    return %arg0, %c0_i32, %c0_i32_0 : i32, i32, i32
  }
}

module attributes {stable_mosaic.version = 14 : i64} {
  func.func @_prelude_body(%arg0: memref<16x512xf32, #tpu.memory_space<vmem>>, %arg1: memref<16x8x128xf32, #tpu.memory_space<vmem>>, %arg2: memref<128x384xf32, #tpu.memory_space<vmem>>, %arg3: memref<128x384xf32, #tpu.memory_space<vmem>>, %arg4: memref<1x384xf32, #tpu.memory_space<vmem>>, %arg5: memref<1x384xf32, #tpu.memory_space<vmem>>, %arg6: memref<16x256x128xf32, #tpu.memory_space<vmem>>, %arg7: memref<16x256xi32, #tpu.memory_space<vmem>>, %arg8: memref<16x50x512xf32, #tpu.memory_space<vmem>>, %arg9: memref<16x1xi32, #tpu.memory_space<vmem>>, %arg10: memref<512x128xf32, #tpu.memory_space<vmem>>, %arg11: memref<512x512xf32, #tpu.memory_space<vmem>>, %arg12: memref<512x4xf32, #tpu.memory_space<vmem>>, %arg13: memref<128x4xf32, #tpu.memory_space<vmem>>, %arg14: memref<512x4xf32, #tpu.memory_space<vmem>>, %arg15: memref<128x4xf32, #tpu.memory_space<vmem>>, %arg16: memref<1x4xf32, #tpu.memory_space<vmem>>, %arg17: memref<16x4xf32, #tpu.memory_space<vmem>>) attributes {dimension_semantics = [], scalar_prefetch = 0 : i64, scratch_operands = 0 : i64, tpu.core_type = #tpu.core_type<tc>} {
    %get3A = arith.constant 0 : index
    %get3A_0 = arith.constant 0 : index
    %get3A_1 = vector.load %arg0[%get3A, %get3A_0] : memref<16x512xf32, #tpu.memory_space<vmem>>, vector<16x512xf32>
    %broadcast_in_dim3A = arith.constant 0.000000e+00 : f32
    %broadcast_in_dim3A_2 = vector.broadcast %broadcast_in_dim3A : f32 to vector<16x128xf32>
    %get3A_3 = arith.constant 0 : index
    %get3A_4 = arith.constant 0 : index
    %get3A_5 = arith.constant 0 : index
    %get3A_6 = vector.load %arg1[%get3A_3, %get3A_4, %get3A_5] : memref<16x8x128xf32, #tpu.memory_space<vmem>>, vector<16x1x128xf32>
    %get3A_7 = vector.shape_cast %get3A_6 : vector<16x1x128xf32> to vector<16x128xf32>
    %get3A_8 = arith.constant 0 : index
    %get3A_9 = arith.constant 0 : index
    %get3A_10 = vector.load %arg2[%get3A_8, %get3A_9] : memref<128x384xf32, #tpu.memory_space<vmem>>, vector<128x384xf32>
    %dot_general3A = arith.constant dense<0.000000e+00> : vector<16x384xf32>
    %dot_general3A_11 = tpu.matmul %get3A_7, %get3A_10, %dot_general3A {dimension_numbers = #tpu.dot_dimension_numbers<[1], [0], [0], [1], [0, 0, 1, 1], [], []>, transpose_lhs_hint = false} : vector<16x128xf32>, vector<128x384xf32>, vector<16x384xf32> -> vector<16x384xf32>
    %get3A_12 = arith.constant 0 : index
    %get3A_13 = arith.constant 0 : index
    %get3A_14 = vector.load %arg4[%get3A_12, %get3A_13] : memref<1x384xf32, #tpu.memory_space<vmem>>, vector<1x384xf32>
    %add3A = vector.broadcast %get3A_14 : vector<1x384xf32> to vector<16x384xf32>
    %add3A_15 = arith.addf %dot_general3A_11, %add3A : vector<16x384xf32>
    %get3A_16 = arith.constant 0 : index
    %get3A_17 = arith.constant 0 : index
    %get3A_18 = vector.load %arg3[%get3A_16, %get3A_17] : memref<128x384xf32, #tpu.memory_space<vmem>>, vector<128x384xf32>
    %dot_general3A_19 = arith.constant dense<0.000000e+00> : vector<16x384xf32>
    %dot_general3A_20 = tpu.matmul %broadcast_in_dim3A_2, %get3A_18, %dot_general3A_19 {dimension_numbers = #tpu.dot_dimension_numbers<[1], [0], [0], [1], [0, 0, 1, 1], [], []>, transpose_lhs_hint = false} : vector<16x128xf32>, vector<128x384xf32>, vector<16x384xf32> -> vector<16x384xf32>
    %get3A_21 = arith.constant 0 : index
    %get3A_22 = arith.constant 0 : index
    %get3A_23 = vector.load %arg5[%get3A_21, %get3A_22] : memref<1x384xf32, #tpu.memory_space<vmem>>, vector<1x384xf32>
    %add3A_24 = vector.broadcast %get3A_23 : vector<1x384xf32> to vector<16x384xf32>
    %add3A_25 = arith.addf %dot_general3A_20, %add3A_24 : vector<16x384xf32>
    %slice3A = vector.extract_strided_slice %add3A_15 {offsets = [0, 0], sizes = [16, 128], strides = [1, 1]} : vector<16x384xf32> to vector<16x128xf32>
    %slice3A_26 = vector.extract_strided_slice %add3A_25 {offsets = [0, 0], sizes = [16, 128], strides = [1, 1]} : vector<16x384xf32> to vector<16x128xf32>
    %add3A_27 = arith.addf %slice3A, %slice3A_26 : vector<16x128xf32>
    %logistic3A = arith.negf %add3A_27 : vector<16x128xf32>
    %logistic3A_28 = math.exp %logistic3A : vector<16x128xf32>
    %logistic3A_29 = arith.constant 1.000000e+00 : f32
    %logistic3A_30 = vector.broadcast %logistic3A_29 : f32 to vector<16x128xf32>
    %logistic3A_31 = arith.addf %logistic3A_30, %logistic3A_28 : vector<16x128xf32>
    %logistic3A_32 = arith.divf %logistic3A_30, %logistic3A_31 : vector<16x128xf32>
    %slice3A_33 = vector.extract_strided_slice %add3A_15 {offsets = [0, 128], sizes = [16, 128], strides = [1, 1]} : vector<16x384xf32> to vector<16x128xf32>
    %slice3A_34 = vector.extract_strided_slice %add3A_25 {offsets = [0, 128], sizes = [16, 128], strides = [1, 1]} : vector<16x384xf32> to vector<16x128xf32>
    %add3A_35 = arith.addf %slice3A_33, %slice3A_34 : vector<16x128xf32>
    %logistic3A_36 = arith.negf %add3A_35 : vector<16x128xf32>
    %logistic3A_37 = math.exp %logistic3A_36 : vector<16x128xf32>
    %logistic3A_38 = arith.constant 1.000000e+00 : f32
    %logistic3A_39 = vector.broadcast %logistic3A_38 : f32 to vector<16x128xf32>
    %logistic3A_40 = arith.addf %logistic3A_39, %logistic3A_37 : vector<16x128xf32>
    %logistic3A_41 = arith.divf %logistic3A_39, %logistic3A_40 : vector<16x128xf32>
    %slice3A_42 = vector.extract_strided_slice %add3A_15 {offsets = [0, 256], sizes = [16, 128], strides = [1, 1]} : vector<16x384xf32> to vector<16x128xf32>
    %slice3A_43 = vector.extract_strided_slice %add3A_25 {offsets = [0, 256], sizes = [16, 128], strides = [1, 1]} : vector<16x384xf32> to vector<16x128xf32>
    %mul3A = arith.mulf %logistic3A_32, %slice3A_43 : vector<16x128xf32>
    %add3A_44 = arith.addf %slice3A_42, %mul3A : vector<16x128xf32>
    %tanh3A = math.tanh %add3A_44 : vector<16x128xf32>
    %sub3A = arith.constant 1.000000e+00 : f32
    %sub3A_45 = vector.broadcast %sub3A : f32 to vector<16x128xf32>
    %sub3A_46 = arith.subf %sub3A_45, %logistic3A_41 : vector<16x128xf32>
    %mul3A_47 = arith.mulf %sub3A_46, %tanh3A : vector<16x128xf32>
    %mul3A_48 = arith.mulf %logistic3A_41, %broadcast_in_dim3A_2 : vector<16x128xf32>
    %add3A_49 = arith.addf %mul3A_47, %mul3A_48 : vector<16x128xf32>
    %get3A_50 = arith.constant 0 : index
    %get3A_51 = arith.constant 1 : index
    %get3A_52 = arith.constant 0 : index
    %get3A_53 = vector.load %arg1[%get3A_50, %get3A_51, %get3A_52] : memref<16x8x128xf32, #tpu.memory_space<vmem>>, vector<16x1x128xf32>
    %get3A_54 = vector.shape_cast %get3A_53 : vector<16x1x128xf32> to vector<16x128xf32>
    %get3A_55 = arith.constant 0 : index
    %get3A_56 = arith.constant 0 : index
    %get3A_57 = vector.load %arg2[%get3A_55, %get3A_56] : memref<128x384xf32, #tpu.memory_space<vmem>>, vector<128x384xf32>
    %dot_general3A_58 = arith.constant dense<0.000000e+00> : vector<16x384xf32>
    %dot_general3A_59 = tpu.matmul %get3A_54, %get3A_57, %dot_general3A_58 {dimension_numbers = #tpu.dot_dimension_numbers<[1], [0], [0], [1], [0, 0, 1, 1], [], []>, transpose_lhs_hint = false} : vector<16x128xf32>, vector<128x384xf32>, vector<16x384xf32> -> vector<16x384xf32>
    %get3A_60 = arith.constant 0 : index
    %get3A_61 = arith.constant 0 : index
    %get3A_62 = vector.load %arg4[%get3A_60, %get3A_61] : memref<1x384xf32, #tpu.memory_space<vmem>>, vector<1x384xf32>
    %add3A_63 = vector.broadcast %get3A_62 : vector<1x384xf32> to vector<16x384xf32>
    %add3A_64 = arith.addf %dot_general3A_59, %add3A_63 : vector<16x384xf32>
    %get3A_65 = arith.constant 0 : index
    %get3A_66 = arith.constant 0 : index
    %get3A_67 = vector.load %arg3[%get3A_65, %get3A_66] : memref<128x384xf32, #tpu.memory_space<vmem>>, vector<128x384xf32>
    %dot_general3A_68 = arith.constant dense<0.000000e+00> : vector<16x384xf32>
    %dot_general3A_69 = tpu.matmul %add3A_49, %get3A_67, %dot_general3A_68 {dimension_numbers = #tpu.dot_dimension_numbers<[1], [0], [0], [1], [0, 0, 1, 1], [], []>, transpose_lhs_hint = false} : vector<16x128xf32>, vector<128x384xf32>, vector<16x384xf32> -> vector<16x384xf32>
    %get3A_70 = arith.constant 0 : index
    %get3A_71 = arith.constant 0 : index
    %get3A_72 = vector.load %arg5[%get3A_70, %get3A_71] : memref<1x384xf32, #tpu.memory_space<vmem>>, vector<1x384xf32>
    %add3A_73 = vector.broadcast %get3A_72 : vector<1x384xf32> to vector<16x384xf32>
    %add3A_74 = arith.addf %dot_general3A_69, %add3A_73 : vector<16x384xf32>
    %slice3A_75 = vector.extract_strided_slice %add3A_64 {offsets = [0, 0], sizes = [16, 128], strides = [1, 1]} : vector<16x384xf32> to vector<16x128xf32>
    %slice3A_76 = vector.extract_strided_slice %add3A_74 {offsets = [0, 0], sizes = [16, 128], strides = [1, 1]} : vector<16x384xf32> to vector<16x128xf32>
    %add3A_77 = arith.addf %slice3A_75, %slice3A_76 : vector<16x128xf32>
    %logistic3A_78 = arith.negf %add3A_77 : vector<16x128xf32>
    %logistic3A_79 = math.exp %logistic3A_78 : vector<16x128xf32>
    %logistic3A_80 = arith.constant 1.000000e+00 : f32
    %logistic3A_81 = vector.broadcast %logistic3A_80 : f32 to vector<16x128xf32>
    %logistic3A_82 = arith.addf %logistic3A_81, %logistic3A_79 : vector<16x128xf32>
    %logistic3A_83 = arith.divf %logistic3A_81, %logistic3A_82 : vector<16x128xf32>
    %slice3A_84 = vector.extract_strided_slice %add3A_64 {offsets = [0, 128], sizes = [16, 128], strides = [1, 1]} : vector<16x384xf32> to vector<16x128xf32>
    %slice3A_85 = vector.extract_strided_slice %add3A_74 {offsets = [0, 128], sizes = [16, 128], strides = [1, 1]} : vector<16x384xf32> to vector<16x128xf32>
    %add3A_86 = arith.addf %slice3A_84, %slice3A_85 : vector<16x128xf32>
    %logistic3A_87 = arith.negf %add3A_86 : vector<16x128xf32>
    %logistic3A_88 = math.exp %logistic3A_87 : vector<16x128xf32>
    %logistic3A_89 = arith.constant 1.000000e+00 : f32
    %logistic3A_90 = vector.broadcast %logistic3A_89 : f32 to vector<16x128xf32>
    %logistic3A_91 = arith.addf %logistic3A_90, %logistic3A_88 : vector<16x128xf32>
    %logistic3A_92 = arith.divf %logistic3A_90, %logistic3A_91 : vector<16x128xf32>
    %slice3A_93 = vector.extract_strided_slice %add3A_64 {offsets = [0, 256], sizes = [16, 128], strides = [1, 1]} : vector<16x384xf32> to vector<16x128xf32>
    %slice3A_94 = vector.extract_strided_slice %add3A_74 {offsets = [0, 256], sizes = [16, 128], strides = [1, 1]} : vector<16x384xf32> to vector<16x128xf32>
    %mul3A_95 = arith.mulf %logistic3A_83, %slice3A_94 : vector<16x128xf32>
    %add3A_96 = arith.addf %slice3A_93, %mul3A_95 : vector<16x128xf32>
    %tanh3A_97 = math.tanh %add3A_96 : vector<16x128xf32>
    %sub3A_98 = arith.constant 1.000000e+00 : f32
    %sub3A_99 = vector.broadcast %sub3A_98 : f32 to vector<16x128xf32>
    %sub3A_100 = arith.subf %sub3A_99, %logistic3A_92 : vector<16x128xf32>
    %mul3A_101 = arith.mulf %sub3A_100, %tanh3A_97 : vector<16x128xf32>
    %mul3A_102 = arith.mulf %logistic3A_92, %add3A_49 : vector<16x128xf32>
    %add3A_103 = arith.addf %mul3A_101, %mul3A_102 : vector<16x128xf32>
    %get3A_104 = arith.constant 0 : index
    %get3A_105 = arith.constant 2 : index
    %get3A_106 = arith.constant 0 : index
    %get3A_107 = vector.load %arg1[%get3A_104, %get3A_105, %get3A_106] : memref<16x8x128xf32, #tpu.memory_space<vmem>>, vector<16x1x128xf32>
    %get3A_108 = vector.shape_cast %get3A_107 : vector<16x1x128xf32> to vector<16x128xf32>
    %get3A_109 = arith.constant 0 : index
    %get3A_110 = arith.constant 0 : index
    %get3A_111 = vector.load %arg2[%get3A_109, %get3A_110] : memref<128x384xf32, #tpu.memory_space<vmem>>, vector<128x384xf32>
    %dot_general3A_112 = arith.constant dense<0.000000e+00> : vector<16x384xf32>
    %dot_general3A_113 = tpu.matmul %get3A_108, %get3A_111, %dot_general3A_112 {dimension_numbers = #tpu.dot_dimension_numbers<[1], [0], [0], [1], [0, 0, 1, 1], [], []>, transpose_lhs_hint = false} : vector<16x128xf32>, vector<128x384xf32>, vector<16x384xf32> -> vector<16x384xf32>
    %get3A_114 = arith.constant 0 : index
    %get3A_115 = arith.constant 0 : index
    %get3A_116 = vector.load %arg4[%get3A_114, %get3A_115] : memref<1x384xf32, #tpu.memory_space<vmem>>, vector<1x384xf32>
    %add3A_117 = vector.broadcast %get3A_116 : vector<1x384xf32> to vector<16x384xf32>
    %add3A_118 = arith.addf %dot_general3A_113, %add3A_117 : vector<16x384xf32>
    %get3A_119 = arith.constant 0 : index
    %get3A_120 = arith.constant 0 : index
    %get3A_121 = vector.load %arg3[%get3A_119, %get3A_120] : memref<128x384xf32, #tpu.memory_space<vmem>>, vector<128x384xf32>
    %dot_general3A_122 = arith.constant dense<0.000000e+00> : vector<16x384xf32>
    %dot_general3A_123 = tpu.matmul %add3A_103, %get3A_121, %dot_general3A_122 {dimension_numbers = #tpu.dot_dimension_numbers<[1], [0], [0], [1], [0, 0, 1, 1], [], []>, transpose_lhs_hint = false} : vector<16x128xf32>, vector<128x384xf32>, vector<16x384xf32> -> vector<16x384xf32>
    %get3A_124 = arith.constant 0 : index
    %get3A_125 = arith.constant 0 : index
    %get3A_126 = vector.load %arg5[%get3A_124, %get3A_125] : memref<1x384xf32, #tpu.memory_space<vmem>>, vector<1x384xf32>
    %add3A_127 = vector.broadcast %get3A_126 : vector<1x384xf32> to vector<16x384xf32>
    %add3A_128 = arith.addf %dot_general3A_123, %add3A_127 : vector<16x384xf32>
    %slice3A_129 = vector.extract_strided_slice %add3A_118 {offsets = [0, 0], sizes = [16, 128], strides = [1, 1]} : vector<16x384xf32> to vector<16x128xf32>
    %slice3A_130 = vector.extract_strided_slice %add3A_128 {offsets = [0, 0], sizes = [16, 128], strides = [1, 1]} : vector<16x384xf32> to vector<16x128xf32>
    %add3A_131 = arith.addf %slice3A_129, %slice3A_130 : vector<16x128xf32>
    %logistic3A_132 = arith.negf %add3A_131 : vector<16x128xf32>
    %logistic3A_133 = math.exp %logistic3A_132 : vector<16x128xf32>
    %logistic3A_134 = arith.constant 1.000000e+00 : f32
    %logistic3A_135 = vector.broadcast %logistic3A_134 : f32 to vector<16x128xf32>
    %logistic3A_136 = arith.addf %logistic3A_135, %logistic3A_133 : vector<16x128xf32>
    %logistic3A_137 = arith.divf %logistic3A_135, %logistic3A_136 : vector<16x128xf32>
    %slice3A_138 = vector.extract_strided_slice %add3A_118 {offsets = [0, 128], sizes = [16, 128], strides = [1, 1]} : vector<16x384xf32> to vector<16x128xf32>
    %slice3A_139 = vector.extract_strided_slice %add3A_128 {offsets = [0, 128], sizes = [16, 128], strides = [1, 1]} : vector<16x384xf32> to vector<16x128xf32>
    %add3A_140 = arith.addf %slice3A_138, %slice3A_139 : vector<16x128xf32>
    %logistic3A_141 = arith.negf %add3A_140 : vector<16x128xf32>
    %logistic3A_142 = math.exp %logistic3A_141 : vector<16x128xf32>
    %logistic3A_143 = arith.constant 1.000000e+00 : f32
    %logistic3A_144 = vector.broadcast %logistic3A_143 : f32 to vector<16x128xf32>
    %logistic3A_145 = arith.addf %logistic3A_144, %logistic3A_142 : vector<16x128xf32>
    %logistic3A_146 = arith.divf %logistic3A_144, %logistic3A_145 : vector<16x128xf32>
    %slice3A_147 = vector.extract_strided_slice %add3A_118 {offsets = [0, 256], sizes = [16, 128], strides = [1, 1]} : vector<16x384xf32> to vector<16x128xf32>
    %slice3A_148 = vector.extract_strided_slice %add3A_128 {offsets = [0, 256], sizes = [16, 128], strides = [1, 1]} : vector<16x384xf32> to vector<16x128xf32>
    %mul3A_149 = arith.mulf %logistic3A_137, %slice3A_148 : vector<16x128xf32>
    %add3A_150 = arith.addf %slice3A_147, %mul3A_149 : vector<16x128xf32>
    %tanh3A_151 = math.tanh %add3A_150 : vector<16x128xf32>
    %sub3A_152 = arith.constant 1.000000e+00 : f32
    %sub3A_153 = vector.broadcast %sub3A_152 : f32 to vector<16x128xf32>
    %sub3A_154 = arith.subf %sub3A_153, %logistic3A_146 : vector<16x128xf32>
    %mul3A_155 = arith.mulf %sub3A_154, %tanh3A_151 : vector<16x128xf32>
    %mul3A_156 = arith.mulf %logistic3A_146, %add3A_103 : vector<16x128xf32>
    %add3A_157 = arith.addf %mul3A_155, %mul3A_156 : vector<16x128xf32>
    %get3A_158 = arith.constant 0 : index
    %get3A_159 = arith.constant 3 : index
    %get3A_160 = arith.constant 0 : index
    %get3A_161 = vector.load %arg1[%get3A_158, %get3A_159, %get3A_160] : memref<16x8x128xf32, #tpu.memory_space<vmem>>, vector<16x1x128xf32>
    %get3A_162 = vector.shape_cast %get3A_161 : vector<16x1x128xf32> to vector<16x128xf32>
    %get3A_163 = arith.constant 0 : index
    %get3A_164 = arith.constant 0 : index
    %get3A_165 = vector.load %arg2[%get3A_163, %get3A_164] : memref<128x384xf32, #tpu.memory_space<vmem>>, vector<128x384xf32>
    %dot_general3A_166 = arith.constant dense<0.000000e+00> : vector<16x384xf32>
    %dot_general3A_167 = tpu.matmul %get3A_162, %get3A_165, %dot_general3A_166 {dimension_numbers = #tpu.dot_dimension_numbers<[1], [0], [0], [1], [0, 0, 1, 1], [], []>, transpose_lhs_hint = false} : vector<16x128xf32>, vector<128x384xf32>, vector<16x384xf32> -> vector<16x384xf32>
    %get3A_168 = arith.constant 0 : index
    %get3A_169 = arith.constant 0 : index
    %get3A_170 = vector.load %arg4[%get3A_168, %get3A_169] : memref<1x384xf32, #tpu.memory_space<vmem>>, vector<1x384xf32>
    %add3A_171 = vector.broadcast %get3A_170 : vector<1x384xf32> to vector<16x384xf32>
    %add3A_172 = arith.addf %dot_general3A_167, %add3A_171 : vector<16x384xf32>
    %get3A_173 = arith.constant 0 : index
    %get3A_174 = arith.constant 0 : index
    %get3A_175 = vector.load %arg3[%get3A_173, %get3A_174] : memref<128x384xf32, #tpu.memory_space<vmem>>, vector<128x384xf32>
    %dot_general3A_176 = arith.constant dense<0.000000e+00> : vector<16x384xf32>
    %dot_general3A_177 = tpu.matmul %add3A_157, %get3A_175, %dot_general3A_176 {dimension_numbers = #tpu.dot_dimension_numbers<[1], [0], [0], [1], [0, 0, 1, 1], [], []>, transpose_lhs_hint = false} : vector<16x128xf32>, vector<128x384xf32>, vector<16x384xf32> -> vector<16x384xf32>
    %get3A_178 = arith.constant 0 : index
    %get3A_179 = arith.constant 0 : index
    %get3A_180 = vector.load %arg5[%get3A_178, %get3A_179] : memref<1x384xf32, #tpu.memory_space<vmem>>, vector<1x384xf32>
    %add3A_181 = vector.broadcast %get3A_180 : vector<1x384xf32> to vector<16x384xf32>
    %add3A_182 = arith.addf %dot_general3A_177, %add3A_181 : vector<16x384xf32>
    %slice3A_183 = vector.extract_strided_slice %add3A_172 {offsets = [0, 0], sizes = [16, 128], strides = [1, 1]} : vector<16x384xf32> to vector<16x128xf32>
    %slice3A_184 = vector.extract_strided_slice %add3A_182 {offsets = [0, 0], sizes = [16, 128], strides = [1, 1]} : vector<16x384xf32> to vector<16x128xf32>
    %add3A_185 = arith.addf %slice3A_183, %slice3A_184 : vector<16x128xf32>
    %logistic3A_186 = arith.negf %add3A_185 : vector<16x128xf32>
    %logistic3A_187 = math.exp %logistic3A_186 : vector<16x128xf32>
    %logistic3A_188 = arith.constant 1.000000e+00 : f32
    %logistic3A_189 = vector.broadcast %logistic3A_188 : f32 to vector<16x128xf32>
    %logistic3A_190 = arith.addf %logistic3A_189, %logistic3A_187 : vector<16x128xf32>
    %logistic3A_191 = arith.divf %logistic3A_189, %logistic3A_190 : vector<16x128xf32>
    %slice3A_192 = vector.extract_strided_slice %add3A_172 {offsets = [0, 128], sizes = [16, 128], strides = [1, 1]} : vector<16x384xf32> to vector<16x128xf32>
    %slice3A_193 = vector.extract_strided_slice %add3A_182 {offsets = [0, 128], sizes = [16, 128], strides = [1, 1]} : vector<16x384xf32> to vector<16x128xf32>
    %add3A_194 = arith.addf %slice3A_192, %slice3A_193 : vector<16x128xf32>
    %logistic3A_195 = arith.negf %add3A_194 : vector<16x128xf32>
    %logistic3A_196 = math.exp %logistic3A_195 : vector<16x128xf32>
    %logistic3A_197 = arith.constant 1.000000e+00 : f32
    %logistic3A_198 = vector.broadcast %logistic3A_197 : f32 to vector<16x128xf32>
    %logistic3A_199 = arith.addf %logistic3A_198, %logistic3A_196 : vector<16x128xf32>
    %logistic3A_200 = arith.divf %logistic3A_198, %logistic3A_199 : vector<16x128xf32>
    %slice3A_201 = vector.extract_strided_slice %add3A_172 {offsets = [0, 256], sizes = [16, 128], strides = [1, 1]} : vector<16x384xf32> to vector<16x128xf32>
    %slice3A_202 = vector.extract_strided_slice %add3A_182 {offsets = [0, 256], sizes = [16, 128], strides = [1, 1]} : vector<16x384xf32> to vector<16x128xf32>
    %mul3A_203 = arith.mulf %logistic3A_191, %slice3A_202 : vector<16x128xf32>
    %add3A_204 = arith.addf %slice3A_201, %mul3A_203 : vector<16x128xf32>
    %tanh3A_205 = math.tanh %add3A_204 : vector<16x128xf32>
    %sub3A_206 = arith.constant 1.000000e+00 : f32
    %sub3A_207 = vector.broadcast %sub3A_206 : f32 to vector<16x128xf32>
    %sub3A_208 = arith.subf %sub3A_207, %logistic3A_200 : vector<16x128xf32>
    %mul3A_209 = arith.mulf %sub3A_208, %tanh3A_205 : vector<16x128xf32>
    %mul3A_210 = arith.mulf %logistic3A_200, %add3A_157 : vector<16x128xf32>
    %add3A_211 = arith.addf %mul3A_209, %mul3A_210 : vector<16x128xf32>
    %get3A_212 = arith.constant 0 : index
    %get3A_213 = arith.constant 4 : index
    %get3A_214 = arith.constant 0 : index
    %get3A_215 = vector.load %arg1[%get3A_212, %get3A_213, %get3A_214] : memref<16x8x128xf32, #tpu.memory_space<vmem>>, vector<16x1x128xf32>
    %get3A_216 = vector.shape_cast %get3A_215 : vector<16x1x128xf32> to vector<16x128xf32>
    %get3A_217 = arith.constant 0 : index
    %get3A_218 = arith.constant 0 : index
    %get3A_219 = vector.load %arg2[%get3A_217, %get3A_218] : memref<128x384xf32, #tpu.memory_space<vmem>>, vector<128x384xf32>
    %dot_general3A_220 = arith.constant dense<0.000000e+00> : vector<16x384xf32>
    %dot_general3A_221 = tpu.matmul %get3A_216, %get3A_219, %dot_general3A_220 {dimension_numbers = #tpu.dot_dimension_numbers<[1], [0], [0], [1], [0, 0, 1, 1], [], []>, transpose_lhs_hint = false} : vector<16x128xf32>, vector<128x384xf32>, vector<16x384xf32> -> vector<16x384xf32>
    %get3A_222 = arith.constant 0 : index
    %get3A_223 = arith.constant 0 : index
    %get3A_224 = vector.load %arg4[%get3A_222, %get3A_223] : memref<1x384xf32, #tpu.memory_space<vmem>>, vector<1x384xf32>
    %add3A_225 = vector.broadcast %get3A_224 : vector<1x384xf32> to vector<16x384xf32>
    %add3A_226 = arith.addf %dot_general3A_221, %add3A_225 : vector<16x384xf32>
    %get3A_227 = arith.constant 0 : index
    %get3A_228 = arith.constant 0 : index
    %get3A_229 = vector.load %arg3[%get3A_227, %get3A_228] : memref<128x384xf32, #tpu.memory_space<vmem>>, vector<128x384xf32>
    %dot_general3A_230 = arith.constant dense<0.000000e+00> : vector<16x384xf32>
    %dot_general3A_231 = tpu.matmul %add3A_211, %get3A_229, %dot_general3A_230 {dimension_numbers = #tpu.dot_dimension_numbers<[1], [0], [0], [1], [0, 0, 1, 1], [], []>, transpose_lhs_hint = false} : vector<16x128xf32>, vector<128x384xf32>, vector<16x384xf32> -> vector<16x384xf32>
    %get3A_232 = arith.constant 0 : index
    %get3A_233 = arith.constant 0 : index
    %get3A_234 = vector.load %arg5[%get3A_232, %get3A_233] : memref<1x384xf32, #tpu.memory_space<vmem>>, vector<1x384xf32>
    %add3A_235 = vector.broadcast %get3A_234 : vector<1x384xf32> to vector<16x384xf32>
    %add3A_236 = arith.addf %dot_general3A_231, %add3A_235 : vector<16x384xf32>
    %slice3A_237 = vector.extract_strided_slice %add3A_226 {offsets = [0, 0], sizes = [16, 128], strides = [1, 1]} : vector<16x384xf32> to vector<16x128xf32>
    %slice3A_238 = vector.extract_strided_slice %add3A_236 {offsets = [0, 0], sizes = [16, 128], strides = [1, 1]} : vector<16x384xf32> to vector<16x128xf32>
    %add3A_239 = arith.addf %slice3A_237, %slice3A_238 : vector<16x128xf32>
    %logistic3A_240 = arith.negf %add3A_239 : vector<16x128xf32>
    %logistic3A_241 = math.exp %logistic3A_240 : vector<16x128xf32>
    %logistic3A_242 = arith.constant 1.000000e+00 : f32
    %logistic3A_243 = vector.broadcast %logistic3A_242 : f32 to vector<16x128xf32>
    %logistic3A_244 = arith.addf %logistic3A_243, %logistic3A_241 : vector<16x128xf32>
    %logistic3A_245 = arith.divf %logistic3A_243, %logistic3A_244 : vector<16x128xf32>
    %slice3A_246 = vector.extract_strided_slice %add3A_226 {offsets = [0, 128], sizes = [16, 128], strides = [1, 1]} : vector<16x384xf32> to vector<16x128xf32>
    %slice3A_247 = vector.extract_strided_slice %add3A_236 {offsets = [0, 128], sizes = [16, 128], strides = [1, 1]} : vector<16x384xf32> to vector<16x128xf32>
    %add3A_248 = arith.addf %slice3A_246, %slice3A_247 : vector<16x128xf32>
    %logistic3A_249 = arith.negf %add3A_248 : vector<16x128xf32>
    %logistic3A_250 = math.exp %logistic3A_249 : vector<16x128xf32>
    %logistic3A_251 = arith.constant 1.000000e+00 : f32
    %logistic3A_252 = vector.broadcast %logistic3A_251 : f32 to vector<16x128xf32>
    %logistic3A_253 = arith.addf %logistic3A_252, %logistic3A_250 : vector<16x128xf32>
    %logistic3A_254 = arith.divf %logistic3A_252, %logistic3A_253 : vector<16x128xf32>
    %slice3A_255 = vector.extract_strided_slice %add3A_226 {offsets = [0, 256], sizes = [16, 128], strides = [1, 1]} : vector<16x384xf32> to vector<16x128xf32>
    %slice3A_256 = vector.extract_strided_slice %add3A_236 {offsets = [0, 256], sizes = [16, 128], strides = [1, 1]} : vector<16x384xf32> to vector<16x128xf32>
    %mul3A_257 = arith.mulf %logistic3A_245, %slice3A_256 : vector<16x128xf32>
    %add3A_258 = arith.addf %slice3A_255, %mul3A_257 : vector<16x128xf32>
    %tanh3A_259 = math.tanh %add3A_258 : vector<16x128xf32>
    %sub3A_260 = arith.constant 1.000000e+00 : f32
    %sub3A_261 = vector.broadcast %sub3A_260 : f32 to vector<16x128xf32>
    %sub3A_262 = arith.subf %sub3A_261, %logistic3A_254 : vector<16x128xf32>
    %mul3A_263 = arith.mulf %sub3A_262, %tanh3A_259 : vector<16x128xf32>
    %mul3A_264 = arith.mulf %logistic3A_254, %add3A_211 : vector<16x128xf32>
    %add3A_265 = arith.addf %mul3A_263, %mul3A_264 : vector<16x128xf32>
    %get3A_266 = arith.constant 0 : index
    %get3A_267 = arith.constant 5 : index
    %get3A_268 = arith.constant 0 : index
    %get3A_269 = vector.load %arg1[%get3A_266, %get3A_267, %get3A_268] : memref<16x8x128xf32, #tpu.memory_space<vmem>>, vector<16x1x128xf32>
    %get3A_270 = vector.shape_cast %get3A_269 : vector<16x1x128xf32> to vector<16x128xf32>
    %get3A_271 = arith.constant 0 : index
    %get3A_272 = arith.constant 0 : index
    %get3A_273 = vector.load %arg2[%get3A_271, %get3A_272] : memref<128x384xf32, #tpu.memory_space<vmem>>, vector<128x384xf32>
    %dot_general3A_274 = arith.constant dense<0.000000e+00> : vector<16x384xf32>
    %dot_general3A_275 = tpu.matmul %get3A_270, %get3A_273, %dot_general3A_274 {dimension_numbers = #tpu.dot_dimension_numbers<[1], [0], [0], [1], [0, 0, 1, 1], [], []>, transpose_lhs_hint = false} : vector<16x128xf32>, vector<128x384xf32>, vector<16x384xf32> -> vector<16x384xf32>
    %get3A_276 = arith.constant 0 : index
    %get3A_277 = arith.constant 0 : index
    %get3A_278 = vector.load %arg4[%get3A_276, %get3A_277] : memref<1x384xf32, #tpu.memory_space<vmem>>, vector<1x384xf32>
    %add3A_279 = vector.broadcast %get3A_278 : vector<1x384xf32> to vector<16x384xf32>
    %add3A_280 = arith.addf %dot_general3A_275, %add3A_279 : vector<16x384xf32>
    %get3A_281 = arith.constant 0 : index
    %get3A_282 = arith.constant 0 : index
    %get3A_283 = vector.load %arg3[%get3A_281, %get3A_282] : memref<128x384xf32, #tpu.memory_space<vmem>>, vector<128x384xf32>
    %dot_general3A_284 = arith.constant dense<0.000000e+00> : vector<16x384xf32>
    %dot_general3A_285 = tpu.matmul %add3A_265, %get3A_283, %dot_general3A_284 {dimension_numbers = #tpu.dot_dimension_numbers<[1], [0], [0], [1], [0, 0, 1, 1], [], []>, transpose_lhs_hint = false} : vector<16x128xf32>, vector<128x384xf32>, vector<16x384xf32> -> vector<16x384xf32>
    %get3A_286 = arith.constant 0 : index
    %get3A_287 = arith.constant 0 : index
    %get3A_288 = vector.load %arg5[%get3A_286, %get3A_287] : memref<1x384xf32, #tpu.memory_space<vmem>>, vector<1x384xf32>
    %add3A_289 = vector.broadcast %get3A_288 : vector<1x384xf32> to vector<16x384xf32>
    %add3A_290 = arith.addf %dot_general3A_285, %add3A_289 : vector<16x384xf32>
    %slice3A_291 = vector.extract_strided_slice %add3A_280 {offsets = [0, 0], sizes = [16, 128], strides = [1, 1]} : vector<16x384xf32> to vector<16x128xf32>
    %slice3A_292 = vector.extract_strided_slice %add3A_290 {offsets = [0, 0], sizes = [16, 128], strides = [1, 1]} : vector<16x384xf32> to vector<16x128xf32>
    %add3A_293 = arith.addf %slice3A_291, %slice3A_292 : vector<16x128xf32>
    %logistic3A_294 = arith.negf %add3A_293 : vector<16x128xf32>
    %logistic3A_295 = math.exp %logistic3A_294 : vector<16x128xf32>
    %logistic3A_296 = arith.constant 1.000000e+00 : f32
    %logistic3A_297 = vector.broadcast %logistic3A_296 : f32 to vector<16x128xf32>
    %logistic3A_298 = arith.addf %logistic3A_297, %logistic3A_295 : vector<16x128xf32>
    %logistic3A_299 = arith.divf %logistic3A_297, %logistic3A_298 : vector<16x128xf32>
    %slice3A_300 = vector.extract_strided_slice %add3A_280 {offsets = [0, 128], sizes = [16, 128], strides = [1, 1]} : vector<16x384xf32> to vector<16x128xf32>
    %slice3A_301 = vector.extract_strided_slice %add3A_290 {offsets = [0, 128], sizes = [16, 128], strides = [1, 1]} : vector<16x384xf32> to vector<16x128xf32>
    %add3A_302 = arith.addf %slice3A_300, %slice3A_301 : vector<16x128xf32>
    %logistic3A_303 = arith.negf %add3A_302 : vector<16x128xf32>
    %logistic3A_304 = math.exp %logistic3A_303 : vector<16x128xf32>
    %logistic3A_305 = arith.constant 1.000000e+00 : f32
    %logistic3A_306 = vector.broadcast %logistic3A_305 : f32 to vector<16x128xf32>
    %logistic3A_307 = arith.addf %logistic3A_306, %logistic3A_304 : vector<16x128xf32>
    %logistic3A_308 = arith.divf %logistic3A_306, %logistic3A_307 : vector<16x128xf32>
    %slice3A_309 = vector.extract_strided_slice %add3A_280 {offsets = [0, 256], sizes = [16, 128], strides = [1, 1]} : vector<16x384xf32> to vector<16x128xf32>
    %slice3A_310 = vector.extract_strided_slice %add3A_290 {offsets = [0, 256], sizes = [16, 128], strides = [1, 1]} : vector<16x384xf32> to vector<16x128xf32>
    %mul3A_311 = arith.mulf %logistic3A_299, %slice3A_310 : vector<16x128xf32>
    %add3A_312 = arith.addf %slice3A_309, %mul3A_311 : vector<16x128xf32>
    %tanh3A_313 = math.tanh %add3A_312 : vector<16x128xf32>
    %sub3A_314 = arith.constant 1.000000e+00 : f32
    %sub3A_315 = vector.broadcast %sub3A_314 : f32 to vector<16x128xf32>
    %sub3A_316 = arith.subf %sub3A_315, %logistic3A_308 : vector<16x128xf32>
    %mul3A_317 = arith.mulf %sub3A_316, %tanh3A_313 : vector<16x128xf32>
    %mul3A_318 = arith.mulf %logistic3A_308, %add3A_265 : vector<16x128xf32>
    %add3A_319 = arith.addf %mul3A_317, %mul3A_318 : vector<16x128xf32>
    %get3A_320 = arith.constant 0 : index
    %get3A_321 = arith.constant 6 : index
    %get3A_322 = arith.constant 0 : index
    %get3A_323 = vector.load %arg1[%get3A_320, %get3A_321, %get3A_322] : memref<16x8x128xf32, #tpu.memory_space<vmem>>, vector<16x1x128xf32>
    %get3A_324 = vector.shape_cast %get3A_323 : vector<16x1x128xf32> to vector<16x128xf32>
    %get3A_325 = arith.constant 0 : index
    %get3A_326 = arith.constant 0 : index
    %get3A_327 = vector.load %arg2[%get3A_325, %get3A_326] : memref<128x384xf32, #tpu.memory_space<vmem>>, vector<128x384xf32>
    %dot_general3A_328 = arith.constant dense<0.000000e+00> : vector<16x384xf32>
    %dot_general3A_329 = tpu.matmul %get3A_324, %get3A_327, %dot_general3A_328 {dimension_numbers = #tpu.dot_dimension_numbers<[1], [0], [0], [1], [0, 0, 1, 1], [], []>, transpose_lhs_hint = false} : vector<16x128xf32>, vector<128x384xf32>, vector<16x384xf32> -> vector<16x384xf32>
    %get3A_330 = arith.constant 0 : index
    %get3A_331 = arith.constant 0 : index
    %get3A_332 = vector.load %arg4[%get3A_330, %get3A_331] : memref<1x384xf32, #tpu.memory_space<vmem>>, vector<1x384xf32>
    %add3A_333 = vector.broadcast %get3A_332 : vector<1x384xf32> to vector<16x384xf32>
    %add3A_334 = arith.addf %dot_general3A_329, %add3A_333 : vector<16x384xf32>
    %get3A_335 = arith.constant 0 : index
    %get3A_336 = arith.constant 0 : index
    %get3A_337 = vector.load %arg3[%get3A_335, %get3A_336] : memref<128x384xf32, #tpu.memory_space<vmem>>, vector<128x384xf32>
    %dot_general3A_338 = arith.constant dense<0.000000e+00> : vector<16x384xf32>
    %dot_general3A_339 = tpu.matmul %add3A_319, %get3A_337, %dot_general3A_338 {dimension_numbers = #tpu.dot_dimension_numbers<[1], [0], [0], [1], [0, 0, 1, 1], [], []>, transpose_lhs_hint = false} : vector<16x128xf32>, vector<128x384xf32>, vector<16x384xf32> -> vector<16x384xf32>
    %get3A_340 = arith.constant 0 : index
    %get3A_341 = arith.constant 0 : index
    %get3A_342 = vector.load %arg5[%get3A_340, %get3A_341] : memref<1x384xf32, #tpu.memory_space<vmem>>, vector<1x384xf32>
    %add3A_343 = vector.broadcast %get3A_342 : vector<1x384xf32> to vector<16x384xf32>
    %add3A_344 = arith.addf %dot_general3A_339, %add3A_343 : vector<16x384xf32>
    %slice3A_345 = vector.extract_strided_slice %add3A_334 {offsets = [0, 0], sizes = [16, 128], strides = [1, 1]} : vector<16x384xf32> to vector<16x128xf32>
    %slice3A_346 = vector.extract_strided_slice %add3A_344 {offsets = [0, 0], sizes = [16, 128], strides = [1, 1]} : vector<16x384xf32> to vector<16x128xf32>
    %add3A_347 = arith.addf %slice3A_345, %slice3A_346 : vector<16x128xf32>
    %logistic3A_348 = arith.negf %add3A_347 : vector<16x128xf32>
    %logistic3A_349 = math.exp %logistic3A_348 : vector<16x128xf32>
    %logistic3A_350 = arith.constant 1.000000e+00 : f32
    %logistic3A_351 = vector.broadcast %logistic3A_350 : f32 to vector<16x128xf32>
    %logistic3A_352 = arith.addf %logistic3A_351, %logistic3A_349 : vector<16x128xf32>
    %logistic3A_353 = arith.divf %logistic3A_351, %logistic3A_352 : vector<16x128xf32>
    %slice3A_354 = vector.extract_strided_slice %add3A_334 {offsets = [0, 128], sizes = [16, 128], strides = [1, 1]} : vector<16x384xf32> to vector<16x128xf32>
    %slice3A_355 = vector.extract_strided_slice %add3A_344 {offsets = [0, 128], sizes = [16, 128], strides = [1, 1]} : vector<16x384xf32> to vector<16x128xf32>
    %add3A_356 = arith.addf %slice3A_354, %slice3A_355 : vector<16x128xf32>
    %logistic3A_357 = arith.negf %add3A_356 : vector<16x128xf32>
    %logistic3A_358 = math.exp %logistic3A_357 : vector<16x128xf32>
    %logistic3A_359 = arith.constant 1.000000e+00 : f32
    %logistic3A_360 = vector.broadcast %logistic3A_359 : f32 to vector<16x128xf32>
    %logistic3A_361 = arith.addf %logistic3A_360, %logistic3A_358 : vector<16x128xf32>
    %logistic3A_362 = arith.divf %logistic3A_360, %logistic3A_361 : vector<16x128xf32>
    %slice3A_363 = vector.extract_strided_slice %add3A_334 {offsets = [0, 256], sizes = [16, 128], strides = [1, 1]} : vector<16x384xf32> to vector<16x128xf32>
    %slice3A_364 = vector.extract_strided_slice %add3A_344 {offsets = [0, 256], sizes = [16, 128], strides = [1, 1]} : vector<16x384xf32> to vector<16x128xf32>
    %mul3A_365 = arith.mulf %logistic3A_353, %slice3A_364 : vector<16x128xf32>
    %add3A_366 = arith.addf %slice3A_363, %mul3A_365 : vector<16x128xf32>
    %tanh3A_367 = math.tanh %add3A_366 : vector<16x128xf32>
    %sub3A_368 = arith.constant 1.000000e+00 : f32
    %sub3A_369 = vector.broadcast %sub3A_368 : f32 to vector<16x128xf32>
    %sub3A_370 = arith.subf %sub3A_369, %logistic3A_362 : vector<16x128xf32>
    %mul3A_371 = arith.mulf %sub3A_370, %tanh3A_367 : vector<16x128xf32>
    %mul3A_372 = arith.mulf %logistic3A_362, %add3A_319 : vector<16x128xf32>
    %add3A_373 = arith.addf %mul3A_371, %mul3A_372 : vector<16x128xf32>
    %get3A_374 = arith.constant 0 : index
    %get3A_375 = arith.constant 7 : index
    %get3A_376 = arith.constant 0 : index
    %get3A_377 = vector.load %arg1[%get3A_374, %get3A_375, %get3A_376] : memref<16x8x128xf32, #tpu.memory_space<vmem>>, vector<16x1x128xf32>
    %get3A_378 = vector.shape_cast %get3A_377 : vector<16x1x128xf32> to vector<16x128xf32>
    %get3A_379 = arith.constant 0 : index
    %get3A_380 = arith.constant 0 : index
    %get3A_381 = vector.load %arg2[%get3A_379, %get3A_380] : memref<128x384xf32, #tpu.memory_space<vmem>>, vector<128x384xf32>
    %dot_general3A_382 = arith.constant dense<0.000000e+00> : vector<16x384xf32>
    %dot_general3A_383 = tpu.matmul %get3A_378, %get3A_381, %dot_general3A_382 {dimension_numbers = #tpu.dot_dimension_numbers<[1], [0], [0], [1], [0, 0, 1, 1], [], []>, transpose_lhs_hint = false} : vector<16x128xf32>, vector<128x384xf32>, vector<16x384xf32> -> vector<16x384xf32>
    %get3A_384 = arith.constant 0 : index
    %get3A_385 = arith.constant 0 : index
    %get3A_386 = vector.load %arg4[%get3A_384, %get3A_385] : memref<1x384xf32, #tpu.memory_space<vmem>>, vector<1x384xf32>
    %add3A_387 = vector.broadcast %get3A_386 : vector<1x384xf32> to vector<16x384xf32>
    %add3A_388 = arith.addf %dot_general3A_383, %add3A_387 : vector<16x384xf32>
    %get3A_389 = arith.constant 0 : index
    %get3A_390 = arith.constant 0 : index
    %get3A_391 = vector.load %arg3[%get3A_389, %get3A_390] : memref<128x384xf32, #tpu.memory_space<vmem>>, vector<128x384xf32>
    %dot_general3A_392 = arith.constant dense<0.000000e+00> : vector<16x384xf32>
    %dot_general3A_393 = tpu.matmul %add3A_373, %get3A_391, %dot_general3A_392 {dimension_numbers = #tpu.dot_dimension_numbers<[1], [0], [0], [1], [0, 0, 1, 1], [], []>, transpose_lhs_hint = false} : vector<16x128xf32>, vector<128x384xf32>, vector<16x384xf32> -> vector<16x384xf32>
    %get3A_394 = arith.constant 0 : index
    %get3A_395 = arith.constant 0 : index
    %get3A_396 = vector.load %arg5[%get3A_394, %get3A_395] : memref<1x384xf32, #tpu.memory_space<vmem>>, vector<1x384xf32>
    %add3A_397 = vector.broadcast %get3A_396 : vector<1x384xf32> to vector<16x384xf32>
    %add3A_398 = arith.addf %dot_general3A_393, %add3A_397 : vector<16x384xf32>
    %slice3A_399 = vector.extract_strided_slice %add3A_388 {offsets = [0, 0], sizes = [16, 128], strides = [1, 1]} : vector<16x384xf32> to vector<16x128xf32>
    %slice3A_400 = vector.extract_strided_slice %add3A_398 {offsets = [0, 0], sizes = [16, 128], strides = [1, 1]} : vector<16x384xf32> to vector<16x128xf32>
    %add3A_401 = arith.addf %slice3A_399, %slice3A_400 : vector<16x128xf32>
    %logistic3A_402 = arith.negf %add3A_401 : vector<16x128xf32>
    %logistic3A_403 = math.exp %logistic3A_402 : vector<16x128xf32>
    %logistic3A_404 = arith.constant 1.000000e+00 : f32
    %logistic3A_405 = vector.broadcast %logistic3A_404 : f32 to vector<16x128xf32>
    %logistic3A_406 = arith.addf %logistic3A_405, %logistic3A_403 : vector<16x128xf32>
    %logistic3A_407 = arith.divf %logistic3A_405, %logistic3A_406 : vector<16x128xf32>
    %slice3A_408 = vector.extract_strided_slice %add3A_388 {offsets = [0, 128], sizes = [16, 128], strides = [1, 1]} : vector<16x384xf32> to vector<16x128xf32>
    %slice3A_409 = vector.extract_strided_slice %add3A_398 {offsets = [0, 128], sizes = [16, 128], strides = [1, 1]} : vector<16x384xf32> to vector<16x128xf32>
    %add3A_410 = arith.addf %slice3A_408, %slice3A_409 : vector<16x128xf32>
    %logistic3A_411 = arith.negf %add3A_410 : vector<16x128xf32>
    %logistic3A_412 = math.exp %logistic3A_411 : vector<16x128xf32>
    %logistic3A_413 = arith.constant 1.000000e+00 : f32
    %logistic3A_414 = vector.broadcast %logistic3A_413 : f32 to vector<16x128xf32>
    %logistic3A_415 = arith.addf %logistic3A_414, %logistic3A_412 : vector<16x128xf32>
    %logistic3A_416 = arith.divf %logistic3A_414, %logistic3A_415 : vector<16x128xf32>
    %slice3A_417 = vector.extract_strided_slice %add3A_388 {offsets = [0, 256], sizes = [16, 128], strides = [1, 1]} : vector<16x384xf32> to vector<16x128xf32>
    %slice3A_418 = vector.extract_strided_slice %add3A_398 {offsets = [0, 256], sizes = [16, 128], strides = [1, 1]} : vector<16x384xf32> to vector<16x128xf32>
    %mul3A_419 = arith.mulf %logistic3A_407, %slice3A_418 : vector<16x128xf32>
    %add3A_420 = arith.addf %slice3A_417, %mul3A_419 : vector<16x128xf32>
    %tanh3A_421 = math.tanh %add3A_420 : vector<16x128xf32>
    %sub3A_422 = arith.constant 1.000000e+00 : f32
    %sub3A_423 = vector.broadcast %sub3A_422 : f32 to vector<16x128xf32>
    %sub3A_424 = arith.subf %sub3A_423, %logistic3A_416 : vector<16x128xf32>
    %mul3A_425 = arith.mulf %sub3A_424, %tanh3A_421 : vector<16x128xf32>
    %mul3A_426 = arith.mulf %logistic3A_416, %add3A_373 : vector<16x128xf32>
    %add3A_427 = arith.addf %mul3A_425, %mul3A_426 : vector<16x128xf32>
    %get3A_428 = arith.constant 0 : index
    %get3A_429 = arith.constant 0 : index
    %get3A_430 = arith.constant 0 : index
    %get3A_431 = vector.load %arg6[%get3A_428, %get3A_429, %get3A_430] : memref<16x256x128xf32, #tpu.memory_space<vmem>>, vector<16x256x128xf32>
    %get3A_432 = arith.constant 0 : index
    %get3A_433 = arith.constant 0 : index
    %get3A_434 = vector.load %arg10[%get3A_432, %get3A_433] : memref<512x128xf32, #tpu.memory_space<vmem>>, vector<512x128xf32>
    %dot_general3A_435 = arith.constant dense<0.000000e+00> : vector<16x128xf32>
    %dot_general3A_436 = tpu.matmul %get3A_1, %get3A_434, %dot_general3A_435 {dimension_numbers = #tpu.dot_dimension_numbers<[1], [0], [0], [1], [0, 0, 1, 1], [], []>, transpose_lhs_hint = false} : vector<16x512xf32>, vector<512x128xf32>, vector<16x128xf32> -> vector<16x128xf32>
    %broadcast_in_dim3A_437 = vector.shape_cast %dot_general3A_436 : vector<16x128xf32> to vector<16x1x128xf32>
    %mul3A_438 = vector.broadcast %broadcast_in_dim3A_437 : vector<16x1x128xf32> to vector<16x256x128xf32>
    %mul3A_439 = arith.mulf %mul3A_438, %get3A_431 : vector<16x256x128xf32>
    %reduce_sum3A = arith.constant dense<0.000000e+00> : vector<16x256xf32>
    %reduce_sum3A_440 = vector.multi_reduction <add>, %mul3A_439, %reduce_sum3A [2] : vector<16x256x128xf32> to vector<16x256xf32>
    %mul3A_441 = arith.constant 0.0883883461 : f32
    %mul3A_442 = vector.broadcast %mul3A_441 : f32 to vector<16x256xf32>
    %mul3A_443 = arith.mulf %reduce_sum3A_440, %mul3A_442 : vector<16x256xf32>
    %get3A_444 = arith.constant 0 : index
    %get3A_445 = arith.constant 0 : index
    %get3A_446 = vector.load %arg7[%get3A_444, %get3A_445] : memref<16x256xi32, #tpu.memory_space<vmem>>, vector<16x256xi32>
    %gt3A = arith.constant 0 : i32
    %gt3A_447 = vector.broadcast %gt3A : i32 to vector<16x256xi32>
    %gt3A_448 = arith.cmpi sgt, %get3A_446, %gt3A_447 : vector<16x256xi32>
    %jit3A = arith.constant -1.000000e+09 : f32
    %broadcast_in_dim3A_449 = vector.broadcast %jit3A : f32 to vector<16x256xf32>
    %select_n3A = arith.select %gt3A_448, %mul3A_443, %broadcast_in_dim3A_449 : vector<16x256xi1>, vector<16x256xf32>
    %reduce_max3A = arith.constant dense<0xFF800000> : vector<16xf32>
    %reduce_max3A_450 = vector.multi_reduction <maximumf>, %select_n3A, %reduce_max3A [1] : vector<16x256xf32> to vector<16xf32>
    %broadcast_in_dim3A_451 = vector.shape_cast %reduce_max3A_450 : vector<16xf32> to vector<16x1xf32>
    %sub3A_452 = vector.broadcast %broadcast_in_dim3A_451 : vector<16x1xf32> to vector<16x256xf32>
    %sub3A_453 = arith.subf %select_n3A, %sub3A_452 : vector<16x256xf32>
    %exp3A = math.exp %sub3A_453 : vector<16x256xf32>
    %reduce_sum3A_454 = arith.constant dense<0.000000e+00> : vector<16xf32>
    %reduce_sum3A_455 = vector.multi_reduction <add>, %exp3A, %reduce_sum3A_454 [1] : vector<16x256xf32> to vector<16xf32>
    %broadcast_in_dim3A_456 = vector.shape_cast %reduce_sum3A_455 : vector<16xf32> to vector<16x1xf32>
    %div3A = vector.broadcast %broadcast_in_dim3A_456 : vector<16x1xf32> to vector<16x256xf32>
    %div3A_457 = arith.divf %exp3A, %div3A : vector<16x256xf32>
    %broadcast_in_dim3A_458 = vector.shape_cast %div3A_457 : vector<16x256xf32> to vector<16x256x1xf32>
    %mul3A_459 = vector.broadcast %broadcast_in_dim3A_458 : vector<16x256x1xf32> to vector<16x256x128xf32>
    %mul3A_460 = arith.mulf %mul3A_459, %get3A_431 : vector<16x256x128xf32>
    %reduce_sum3A_461 = arith.constant dense<0.000000e+00> : vector<16x128xf32>
    %reduce_sum3A_462 = vector.multi_reduction <add>, %mul3A_460, %reduce_sum3A_461 [1] : vector<16x256x128xf32> to vector<16x128xf32>
    %get3A_463 = arith.constant 0 : index
    %get3A_464 = arith.constant 0 : index
    %get3A_465 = arith.constant 0 : index
    %get3A_466 = vector.load %arg8[%get3A_463, %get3A_464, %get3A_465] : memref<16x50x512xf32, #tpu.memory_space<vmem>>, vector<16x50x512xf32>
    %get3A_467 = arith.constant 0 : index
    %get3A_468 = arith.constant 0 : index
    %get3A_469 = vector.load %arg11[%get3A_467, %get3A_468] : memref<512x512xf32, #tpu.memory_space<vmem>>, vector<512x512xf32>
    %dot_general3A_470 = arith.constant dense<0.000000e+00> : vector<16x512xf32>
    %dot_general3A_471 = tpu.matmul %get3A_1, %get3A_469, %dot_general3A_470 {dimension_numbers = #tpu.dot_dimension_numbers<[1], [0], [0], [1], [0, 0, 1, 1], [], []>, transpose_lhs_hint = false} : vector<16x512xf32>, vector<512x512xf32>, vector<16x512xf32> -> vector<16x512xf32>
    %broadcast_in_dim3A_472 = vector.shape_cast %dot_general3A_471 : vector<16x512xf32> to vector<16x1x512xf32>
    %mul3A_473 = vector.broadcast %broadcast_in_dim3A_472 : vector<16x1x512xf32> to vector<16x50x512xf32>
    %mul3A_474 = arith.mulf %mul3A_473, %get3A_466 : vector<16x50x512xf32>
    %reduce_sum3A_475 = arith.constant dense<0.000000e+00> : vector<16x50xf32>
    %reduce_sum3A_476 = vector.multi_reduction <add>, %mul3A_474, %reduce_sum3A_475 [2] : vector<16x50x512xf32> to vector<16x50xf32>
    %mul3A_477 = arith.constant 0.0441941731 : f32
    %mul3A_478 = vector.broadcast %mul3A_477 : f32 to vector<16x50xf32>
    %mul3A_479 = arith.mulf %reduce_sum3A_476, %mul3A_478 : vector<16x50xf32>
    %get3A_480 = arith.constant 0 : index
    %get3A_481 = arith.constant 0 : index
    %get3A_482 = vector.load %arg9[%get3A_480, %get3A_481] : memref<16x1xi32, #tpu.memory_space<vmem>>, vector<16x1xi32>
    %jit3A_483 = arith.constant 1 : i32
    %jit3A_484 = arith.constant 50 : i32
    %max3A = vector.broadcast %jit3A_483 : i32 to vector<16x1xi32>
    %max3A_485 = arith.maxsi %max3A, %get3A_482 : vector<16x1xi32>
    %min3A = vector.broadcast %jit3A_484 : i32 to vector<16x1xi32>
    %min3A_486 = arith.minsi %min3A, %max3A_485 : vector<16x1xi32>
    %iota3A = tpu.iota {dimensions = array<i32: 1>} : vector<16x50xi32>
    %lt3A = vector.broadcast %min3A_486 : vector<16x1xi32> to vector<16x50xi32>
    %lt3A_487 = arith.cmpi slt, %iota3A, %lt3A : vector<16x50xi32>
    %jit3A_488 = arith.constant -1.000000e+09 : f32
    %broadcast_in_dim3A_489 = vector.broadcast %jit3A_488 : f32 to vector<16x50xf32>
    %select_n3A_490 = arith.select %lt3A_487, %mul3A_479, %broadcast_in_dim3A_489 : vector<16x50xi1>, vector<16x50xf32>
    %reduce_max3A_491 = arith.constant dense<0xFF800000> : vector<16xf32>
    %reduce_max3A_492 = vector.multi_reduction <maximumf>, %select_n3A_490, %reduce_max3A_491 [1] : vector<16x50xf32> to vector<16xf32>
    %broadcast_in_dim3A_493 = vector.shape_cast %reduce_max3A_492 : vector<16xf32> to vector<16x1xf32>
    %sub3A_494 = vector.broadcast %broadcast_in_dim3A_493 : vector<16x1xf32> to vector<16x50xf32>
    %sub3A_495 = arith.subf %select_n3A_490, %sub3A_494 : vector<16x50xf32>
    %exp3A_496 = math.exp %sub3A_495 : vector<16x50xf32>
    %reduce_sum3A_497 = arith.constant dense<0.000000e+00> : vector<16xf32>
    %reduce_sum3A_498 = vector.multi_reduction <add>, %exp3A_496, %reduce_sum3A_497 [1] : vector<16x50xf32> to vector<16xf32>
    %broadcast_in_dim3A_499 = vector.shape_cast %reduce_sum3A_498 : vector<16xf32> to vector<16x1xf32>
    %div3A_500 = vector.broadcast %broadcast_in_dim3A_499 : vector<16x1xf32> to vector<16x50xf32>
    %div3A_501 = arith.divf %exp3A_496, %div3A_500 : vector<16x50xf32>
    %broadcast_in_dim3A_502 = vector.shape_cast %div3A_501 : vector<16x50xf32> to vector<16x50x1xf32>
    %mul3A_503 = vector.broadcast %broadcast_in_dim3A_502 : vector<16x50x1xf32> to vector<16x50x512xf32>
    %mul3A_504 = arith.mulf %mul3A_503, %get3A_466 : vector<16x50x512xf32>
    %reduce_sum3A_505 = arith.constant dense<0.000000e+00> : vector<16x512xf32>
    %reduce_sum3A_506 = vector.multi_reduction <add>, %mul3A_504, %reduce_sum3A_505 [1] : vector<16x50x512xf32> to vector<16x512xf32>
    %get3A_507 = arith.constant 0 : index
    %get3A_508 = arith.constant 0 : index
    %get3A_509 = vector.load %arg12[%get3A_507, %get3A_508] : memref<512x4xf32, #tpu.memory_space<vmem>>, vector<512x4xf32>
    %dot_general3A_510 = arith.constant dense<0.000000e+00> : vector<16x4xf32>
    %dot_general3A_511 = tpu.matmul %get3A_1, %get3A_509, %dot_general3A_510 {dimension_numbers = #tpu.dot_dimension_numbers<[1], [0], [0], [1], [0, 0, 1, 1], [], []>, transpose_lhs_hint = false} : vector<16x512xf32>, vector<512x4xf32>, vector<16x4xf32> -> vector<16x4xf32>
    %get3A_512 = arith.constant 0 : index
    %get3A_513 = arith.constant 0 : index
    %get3A_514 = vector.load %arg13[%get3A_512, %get3A_513] : memref<128x4xf32, #tpu.memory_space<vmem>>, vector<128x4xf32>
    %dot_general3A_515 = arith.constant dense<0.000000e+00> : vector<16x4xf32>
    %dot_general3A_516 = tpu.matmul %add3A_427, %get3A_514, %dot_general3A_515 {dimension_numbers = #tpu.dot_dimension_numbers<[1], [0], [0], [1], [0, 0, 1, 1], [], []>, transpose_lhs_hint = false} : vector<16x128xf32>, vector<128x4xf32>, vector<16x4xf32> -> vector<16x4xf32>
    %add3A_517 = arith.addf %dot_general3A_511, %dot_general3A_516 : vector<16x4xf32>
    %get3A_518 = arith.constant 0 : index
    %get3A_519 = arith.constant 0 : index
    %get3A_520 = vector.load %arg14[%get3A_518, %get3A_519] : memref<512x4xf32, #tpu.memory_space<vmem>>, vector<512x4xf32>
    %dot_general3A_521 = arith.constant dense<0.000000e+00> : vector<16x4xf32>
    %dot_general3A_522 = tpu.matmul %reduce_sum3A_506, %get3A_520, %dot_general3A_521 {dimension_numbers = #tpu.dot_dimension_numbers<[1], [0], [0], [1], [0, 0, 1, 1], [], []>, transpose_lhs_hint = false} : vector<16x512xf32>, vector<512x4xf32>, vector<16x4xf32> -> vector<16x4xf32>
    %add3A_523 = arith.addf %add3A_517, %dot_general3A_522 : vector<16x4xf32>
    %get3A_524 = arith.constant 0 : index
    %get3A_525 = arith.constant 0 : index
    %get3A_526 = vector.load %arg15[%get3A_524, %get3A_525] : memref<128x4xf32, #tpu.memory_space<vmem>>, vector<128x4xf32>
    %dot_general3A_527 = arith.constant dense<0.000000e+00> : vector<16x4xf32>
    %dot_general3A_528 = tpu.matmul %reduce_sum3A_462, %get3A_526, %dot_general3A_527 {dimension_numbers = #tpu.dot_dimension_numbers<[1], [0], [0], [1], [0, 0, 1, 1], [], []>, transpose_lhs_hint = false} : vector<16x128xf32>, vector<128x4xf32>, vector<16x4xf32> -> vector<16x4xf32>
    %add3A_529 = arith.addf %add3A_523, %dot_general3A_528 : vector<16x4xf32>
    %get3A_530 = arith.constant 0 : index
    %get3A_531 = arith.constant 0 : index
    %get3A_532 = vector.load %arg16[%get3A_530, %get3A_531] : memref<1x4xf32, #tpu.memory_space<vmem>>, vector<1x4xf32>
    %add3A_533 = vector.broadcast %get3A_532 : vector<1x4xf32> to vector<16x4xf32>
    %add3A_534 = arith.addf %add3A_529, %add3A_533 : vector<16x4xf32>
    %swap3A = arith.constant 0 : index
    %swap3A_535 = arith.constant 0 : index
    %swap3A_536 = vector.load %arg17[%swap3A, %swap3A_535] : memref<16x4xf32, #tpu.memory_space<vmem>>, vector<16x4xf32>
    tpu.vector_store %arg17[%swap3A, %swap3A_535], %add3A_534 {strides = array<i32>} : memref<16x4xf32, #tpu.memory_space<vmem>>, vector<16x4xf32>,
    return
  }
}

</mosaic_0001>

<sc_bundles>
// kernel: kernel.12.cloned.1.call-start
scs
__scs_entry_jumppad:
0x0: {  	(pc) =	sbr.rel $0x88, $3  }
0x1: {  	(tag) =	ssettag $0x0;
	lr =	simm.s32 $0x1  }
0x2: {  	[smem:$0x3F82] =	sst lr;
	_ =	strace $0xD0000000  }
0x3: {  	_ = 	snop  }
0x4: {  	_ = 	snop  }
0x5: {  	_ = 	snop  }
0x6: {  	_ = 	snop  }
0x7: {  	_ = 	snop  }
__scs_overlays_trampoline_lowered:
0x8: {  	[smem:$0x3F91] =	sst s0  }
0x9: {  	[smem:$0x3F92] =	sst s1  }
0xa: {  	[smem:$0x3F93] =	sst s2  }
0xb: {  	[smem:$0x3F94] =	sst s3  }
0xc: {  	[smem:$0x3F95] =	sst s4  }
0xd: {  	[smem:$0x3F96] =	sst s5  }
0xe: {  	[smem:$0x3F97] =	sst s6  }
0xf: {  	[smem:$0x3F98] =	sst s7  }
0x10: {  	[smem:$0x3F99] =	sst s8  }
0x11: {  	[smem:$0x3F9A] =	sst s9;
	s0 =	simm.s32 @!p0 $0x0  }
0x12: {  	s1 =	sld [smem:$0x3F80];
	s0 =	simm.s32 @p0 $0x1  }
0x13: {  	[smem:$0x3F9B] =	sst s0;
	s0 =	simm.s32 @!p1 $0x0  }
0x14: {  	s2 =	sld [smem:$0x3F7F];
	s0 =	simm.s32 @p1 $0x1  }
0x15: {  	[smem:$0x3F9C] =	sst s0;
	s0 =	simm.s32 @!p2 $0x0  }
0x16: {  	s3 =	sld [smem:$0x3FDB];
	s0 =	simm.s32 @p2 $0x1  }
0x17: {  	s4 =	simm.s32 $0x1BF5;
	[smem:$0x3F9E] =	sst s0  }
0x18: {  	s0 =	sld [smem:$0x3F81];
	_ =	swait.ge [sflag:s4], $0x0  }
0x19: {  	s7 =	sld [smem:$0x3F82]  }
0x1a: {  	s8 =	sadd.s32 $0xFFFFE003, lr  }
0x1b: {  	s9 =	sadd.s32 $0xFFFFFEF7, lr;
	s5 =	simm.s32 $0xFFFFFFFF;
	p2 =	slt.u32 s8, $0xFFFFF086  }
0x1c: {  	p1 =	slt.u32 s9, $0xF7A;
	s5 =	simm.s32 @!p2 $0x0  }
0x1d: {  	s5 =	simm.s32 @p1 $0x1;
	p0 =	seq.s32 s7, s2  }
0x1e: {  	s7 =	smul.u32 @!p0 $0xF7A, s2;
	p2 =	seq.s32 @!p0 s5, $0x0  }
0x1f: {  	s9 =	smul.u32 $0xF7A, s1;
	s8 =	simm.s32 @!p0 $0x1BF5;
	p2 =	por !p2, p0  }
0x20: {  	[sflag:s8] =	ssyncset.s32 @!p0 $0xFFFFF086;
	s6 =	sadd.s32 @!p0 s3, s7;
	s7 =	simm.s32 @!p0 $0x108  }
0x21: {  	s3 =	sadd.s32 s3, s9;
	s6 =	sadd.s32 @!p0 $0x88, s6;
	s7 =	simm.s32 @p2 $0x1082  }
0x22: {  	[simem:s7], [sflag:s8] =	dma.local @!p0 [hbm:s6], $0xF7A  }
0x23: {  	s9 =	sor.u32 $0xD0000000, s2;
	s6 =	simm.s32 $0x108;
	_ =	swait.ge @!p0 [sflag:s8], $0x0  }
0x24: {  	s3 =	sadd.s32 $0x88, s3;
	s6 =	simm.s32 @!p1 $0x1082;
	[sflag:s4] =	ssyncset.s32 $0xFFFFF086  }
0x25: {  	[simem:s6], [sflag:s4] =	dma.local [hbm:s3], $0xF7A  }
0x26: {  	[smem:$0x3F82] =	sst s1;
	(tag) =	ssettag s2;
	_ =	strace s9  }
0x27: {  	s1 =	sld [smem:$0x3F92]  }
0x28: {  	s2 =	sld [smem:$0x3F93]  }
0x29: {  	s4 =	sld [smem:$0x3F95]  }
0x2a: {  	p0 =	seq.s32 s5, $0x0;
	s5 =	sld [smem:$0x3F96]  }
0x2b: {  	s6 =	sld [smem:$0x3F97]  }
0x2c: {  	s7 =	sld [smem:$0x3F98]  }
0x2d: {  	s3 =	simm.s32 $0x108;
	s8 =	sld [smem:$0x3F99]  }
0x2e: {  	s3 =	simm.s32 @!p0 $0x1082;
	s9 =	sld [smem:$0x3F9A]  }
0x2f: {  	lr =	sadd.s32 s0, s3;
	s0 =	sld [smem:$0x3F91]  }
0x30: {  	s3 =	sld [smem:$0x3F94]  }
0x31: {  	[smem:$0x3F9D] =	sst s10  }
0x32: {  	s10 =	sld [smem:$0x3F9B];
	_ =	sdelay $0x3  }
0x33: {  	p0 =	seq.s32 s10, $0x1;
	s10 =	sld [smem:$0x3F9D];
	_ =	sdelay $0x3  }
0x34: {  	[smem:$0x3F9D] =	sst s10  }
0x35: {  	s10 =	sld [smem:$0x3F9C];
	_ =	sdelay $0x3  }
0x36: {  	p1 =	seq.s32 s10, $0x1;
	s10 =	sld [smem:$0x3F9D];
	_ =	sdelay $0x3  }
0x37: {  	[smem:$0x3F9D] =	sst s10  }
0x38: {  	s10 =	sld [smem:$0x3F9E]  }
0x39: {  	_ = 	snop;
	(pc) =	sbr.ind lr, $3  }
0x3a: {  	_ = 	snop  }
0x3b: {  	_ = 	snop  }
0x3c: {  	p2 =	seq.s32 s10, $0x1;
	s10 =	sld [smem:$0x3F9D]  }
0x3d: {  	_ =	shalt  }
0x3e: {  	_ =	shalt  }
0x3f: {  	_ =	shalt  }
0x40: {  	_ =	shalt  }
0x41: {  	_ =	shalt  }
0x42: {  	_ =	shalt  }
0x43: {  	_ =	shalt  }
0x44: {  	_ =	shalt  }
0x45: {  	_ =	shalt  }
0x46: {  	_ =	shalt  }
0x47: {  	_ =	shalt  }
0x48: {  	_ =	shalt  }
0x49: {  	_ =	shalt  }
0x4a: {  	_ =	shalt  }
0x4b: {  	_ =	shalt  }
0x4c: {  	_ =	shalt  }
0x4d: {  	_ =	shalt  }
0x4e: {  	_ =	shalt  }
0x4f: {  	_ =	shalt  }
0x50: {  	_ =	shalt  }
0x51: {  	_ =	shalt  }
0x52: {  	_ =	shalt  }
0x53: {  	_ =	shalt  }
0x54: {  	_ =	shalt  }
0x55: {  	_ =	shalt  }
0x56: {  	_ =	shalt  }
0x57: {  	_ =	shalt  }
0x58: {  	_ =	shalt  }
0x59: {  	_ =	shalt  }
0x5a: {  	_ =	shalt  }
0x5b: {  	_ =	shalt  }
0x5c: {  	_ =	shalt  }
0x5d: {  	_ =	shalt  }
0x5e: {  	_ =	shalt  }
0x5f: {  	_ =	shalt  }
0x60: {  	_ =	shalt  }
0x61: {  	_ =	shalt  }
0x62: {  	_ =	shalt  }
0x63: {  	_ =	shalt  }
0x64: {  	_ =	shalt  }
0x65: {  	_ =	shalt  }
0x66: {  	_ =	shalt  }
0x67: {  	_ =	shalt  }
0x68: {  	_ =	shalt  }
0x69: {  	_ =	shalt  }
0x6a: {  	_ =	shalt  }
0x6b: {  	_ =	shalt  }
0x6c: {  	_ =	shalt  }
0x6d: {  	_ =	shalt  }
0x6e: {  	_ =	shalt  }
0x6f: {  	_ =	shalt  }
0x70: {  	_ =	shalt  }
0x71: {  	_ =	shalt  }
0x72: {  	_ =	shalt  }
0x73: {  	_ =	shalt  }
0x74: {  	_ =	shalt  }
0x75: {  	_ =	shalt  }
0x76: {  	_ =	shalt  }
0x77: {  	_ =	shalt  }
0x78: {  	_ =	shalt  }
0x79: {  	_ =	shalt  }
0x7a: {  	_ =	shalt  }
0x7b: {  	_ =	shalt  }
0x7c: {  	_ =	shalt  }
0x7d: {  	_ =	shalt  }
0x7e: {  	_ =	shalt  }
0x7f: {  	_ =	shalt  }
0x80: {  	_ =	shalt  }
0x81: {  	_ =	shalt  }
0x82: {  	_ =	shalt  }
0x83: {  	_ =	shalt  }
0x84: {  	_ =	shalt  }
0x85: {  	_ =	shalt  }
0x86: {  	_ =	shalt  }
0x87: {  	_ =	shalt  }
.Lfunc_end0:
.L_simem_size_0:
called_computation_lowered:
.L_overlay_start_0:
0x88: {  	s2 =	sld [smem:$0x3FD9]  }
0x89: {  	s3 =	sld [smem:$0x3FFE];
	_ =	sdelay $0x1  }
0x8a: {  	s1 =	srdreg.scid  }
0x8b: {  	s0 =	sand.u32 $0x1, s1  }
0x8c: {  	s14 =	sshll.u32 s0, $0xA;
	s2 =	sadd.s32 s3, s2  }
0x8d: {  	s2 =	sadd.s32 s2, s14  }
0x8e: {  	[smem:$0x3FA9] =	sst s2  }
0x8f: {  	_ = 	snop  }
0x90: {  	s2 =	sld [smem:$0x3FD0]  }
0x91: {  	s15 =	sld [smem:$0x3FBF]  }
0x92: {  	s4 =	sld [smem:$0x3FBE]  }
0x93: {  	s6 =	simm.s32 $0xA;
	s7 =	simm.s32 $0x10;
	s5 =	sld [smem:$0x3FB9]  }
0x94: {  	[smem:s7], [sflag:s6] =	dma.local [hbm:s2], $0x1  }
0x95: {  	_ =	swait.eq [sflag:s6], $0x1  }
0x96: {  	[sflag:s6] =	ssyncset.done $0x0  }
0x97: {  	[sflag:s6] =	ssyncadd.s32 $0xFFFFFFFF  }
0x98: {  	s16 =	sld [smem:$0x10];
	(tm) =	ssettm $0x1  }
0x99: {  	s17 =	sld [smem:$0x3FFB];
	_ =	sdelay $0x3  }
0x9a: {  	_ =	strace s17  }
0x9b: {  	s6 =	sld [smem:$0x3FFC];
	_ =	sdelay $0x3  }
0x9c: {  	_ =	strace s6  }
0x9d: {  	s6 =	sld [smem:$0x3FFD];
	_ =	sdelay $0x3  }
0x9e: {  	_ =	strace s6  }
0x9f: {  	_ =	strace $0x8FFFFFFF  }
0xa0: {  	s18 =	sld [smem:$0x3FDB];
	_ =	sdelay $0x1  }
0xa1: {  	s19 =	simm.s32 $_scs_section_size  }
0xa2: {  	s8 =	simm.s32 $_size__tile_overlayer_lowered;
	s9 =	simm.s32 $_tile_overlayer_lowered  }
0xa3: {  	s22 =	simm.s32 $0x1BFF;
	s21 =	sshll.u32 s9, $0x1;
	s6 =	sadd.s32 s19, s18  }
0xa4: {  	s10 =	simm.s32 $0x0;
	s20 =	sshll.u32 s8, $0x1;
	s8 =	sadd.s32 s21, s6  }
0xa5: {  	[timem:s10], [sflag:s22] =	dma.local [hbm:s8], s20  }
0xa6: {  	_ =	swait.ge [sflag:s22], s20  }
0xa7: {  	s7 =	ssub.s32 $0x0, s20;
	[sflag:s22] =	ssyncset.done $0x0  }
0xa8: {  	[sflag:s22] =	ssyncadd.s32 s7;
	_ =	sdelay $0x1  }
0xa9: {  	s23 =	simm.s32 $0x1B8B  }
0xaa: {  	_ =	swait.ge [sflag:s23], $0x1  }
0xab: {  	[sflag:s23] =	ssyncset.done $0x0  }
0xac: {  	s25 =	simm.s32 $0x1B8E;
	s24 =	sld [smem:$0x3FFE];
	[sflag:s23] =	ssyncadd.s32 $0xFFFFFFFF  }
0xad: {  	s26 =	simm.s32 $execute0_lowered;
	[smem:$0x3FD2] =	sst s25  }
0xae: {  	s8 =	sshll.u32 s26, $0x1;
	_ =	strace $0x80000046;
	[dreg:$0x1] =	wrdreg $0xFFFFFFFF  }
0xaf: {  	s28 =	simm.s32 $_size_execute0_lowered;
	s6 =	sadd.s32 s6, s8;
	[dreg:$0x0] =	wrdreg $0x0  }
0xb0: {  	s8 =	sshll.u32 s28, $0x1;
	[dreg:$0x2] =	wrdreg s6  }
0xb1: {  	[dreg:$0x3] =	wrdreg s8  }
0xb2: {  	[dreg:$0x4] =	wrdreg $0xC0  }
0xb3: {  	_ =	task [dreg:s10], $0x5FFFF  }
0xb4: {  	[dreg:$0x1] =	wrdreg $0xFFFFFFFF  }
0xb5: {  	[dreg:$0x0] =	wrdreg $0x60  }
0xb6: {  	[dreg:$0x2] =	wrdreg s5  }
0xb7: {  	[dreg:$0x3] =	wrdreg s24  }
0xb8: {  	[dreg:$0x4] =	wrdreg s16  }
0xb9: {  	[dreg:$0x5] =	wrdreg s15  }
0xba: {  	[dreg:$0x6] =	wrdreg s4  }
0xbb: {  	[dreg:$0x7] =	wrdreg $0x9  }
0xbc: {  	_ =	task.clear_ibuf [dreg:s10], $0x8FFFF;
	_ =	strace $0x90000046  }
0xbd: {  	s29 =	simm.s32 $0x9;
	_ =	strace $0x80000048  }
0xbe: {  	_ =	swait.ge [sflag:s29], $0x1  }
0xbf: {  	[sflag:s29] =	ssyncadd.s32 $0xFFFFFFFF  }
0xc0: {  	_ =	strace $0x90000048  }
0xc1: {  	_ =	sfence  }
0xc2: {  	s30 =	sld [smem:$0x0];
	_ =	sdelay $0x2  }
0xc3: {  	s31 =	sshll.u32 s1, $0xD;
	s1 =	sshrl.u32 s1, $0x2  }
0xc4: {  	s3 =	sand.u32 $0x4000, s31;
	s1 =	sadd.s32 s1, s30  }
0xc5: {  	s0 =	sor.u32 s3, s0;
	s1 =	sshll.u32 s1, $0x11  }
0xc6: {  	s0 =	sor.u32 s1, s0  }
0xc7: {  	s0 =	sadd.s32 $0x8F2B, s0  }
0xc8: {  	[sflag:s0] =	ssyncadd.remote.s32 $0x1  }
0xc9: {  	_ =	sfence.sel $0xFFFF  }
0xca: {  	[dreg:$0x0] =	wrdreg $0xFFFFFFFF;
	(pc) =	sbr.abs _section_cstart, $3  }
0xcb: {  	[dreg:$0x1] =	wrdreg $0xFFFFFFFF  }
0xcc: {  	_ =	task.clear_ibuf [dreg:s10], $0x2FFFF;
	_ =	strace $0x9FFFFFFF  }
0xcd: {  	(tm) =	ssettm $0x7FFFFFFF  }
tec
execute0_lowered:
.L_overlay_start_1:
0x0: {  	(tag) =	ssettag $0x1  }
0x1: {  	s1 =	rddreg [dreg:$0x0]  }
0x2: {  	s19 =	rddreg [dreg:$0x1]  }
0x3: {  	s8 =	rddreg [dreg:$0x2]  }
0x4: {  	s2 =	srdreg.scid;
	s0 =	stileid.u32  }
0x5: {  	s3 =	rddreg [dreg:$0x3];
	s18 =	sand.u32 $0x1, s2;
	s30 =	sshll.u32 s0, $0x1  }
0x6: {  	s4 =	rddreg [dreg:$0x4];
	s20 =	sor.u32 s18, s30  }
0x7: {  	s5 =	simm.s32 $0x0;
	s2 =	rddreg [dreg:$0x5];
	s6 =	sshll.u32 s20, $0x4  }
0x8: {  	[smem:$0x7FF] =	sst s5;
	s6 =	sadd.s32 s6, s19  }
0x9: {  	_ =	strace $0x80000047;
	s7 =	sadd.s32 $0x6600, s6;
	s6 =	simm.s32 $0x3  }
0xa: {  	[tilespmem:s5], [sflag:$0x3] =	stream.linear.gather [hbm4b:s7+s5], $0x80, $0x38;
	[tilespmem:$0x4580] =	vst v63  }
0xb: {  	_ =	swait.ge [sflag:s6], $0x80  }
0xc: {  	p0 =	sgt.u32 s0, $0x7;
	[sflag:s6] =	ssyncset.done $0x0  }
0xd: {  	s9 =	simm.s32 $0x80;
	s10 =	simm.s32 @!p0 $0x0;
	[sflag:s6] =	ssyncadd.s32 $0xFFFFFF80  }
0xe: {  	[tilespmem:s9], [sflag:$0x1] =	stream.indirect.gather [hbm4b:s1+s9], $0x80, s5, s9, $0xb8;
	[tilespmem:$0x4580] =	vst v63  }
0xf: {  	s11 =	simm.s32 @!p0 $0x4080;
	s12 =	simm.s32 @!p0 $0x3;
	s8 =	sadd.s32 s8, s20  }
0x10: {  	[tilespmem:s11], [sflag:$0x3] =	stream.linear.gather @!p0 [hbm4b:s8+s10], $0x8, $0x38;
	[tilespmem:$0x4580] =	vst v63  }
0x11: {  	_ =	swait.ge @!p0 [sflag:s12], $0x8  }
0x12: {  	s13 =	simm.s32 @!p0 $0x2;
	[sflag:s12] =	ssyncset.done @!p0 $0x0  }
0x13: {  	s14 =	simm.s32 @!p0 $0x8;
	s15 =	simm.s32 @!p0 $0x4100;
	[sflag:s12] =	ssyncadd.s32 @!p0 $0xFFFFFFF8  }
0x14: {  	[tilespmem:s15], [sflag:$0x2] =	stream.indirect.gather @!p0 [hbm4b:s3+s14], $0x1, s11, s14, $0xb8;
	[tilespmem:$0x4580] =	vst v63  }
0x15: {  	_ =	swait.ge @!p0 [sflag:s13], $0x8  }
0x16: {  	[sflag:s13] =	ssyncset.done @!p0 $0x0  }
0x17: {  	s16 =	simm.s32 @!p0 $0x4180;
	[sflag:s13] =	ssyncadd.s32 @!p0 $0xFFFFFFF8  }
0x18: {  	[tilespmem:s16], [sflag:$0x2] =	stream.indirect.gather @!p0 [hbm4b:s4+s14], $0x80, s15, s14, $0xb8;
	[tilespmem:$0x4580] =	vst v63  }
0x19: {  	s17 =	sshll.u32 s20, $0x7;
	_ =	swait.ge @!p0 [sflag:s13], $0x400  }
0x1a: {  	s21 =	ssub.s32 $0x2, s18;
	s17 =	sadd.s32 s17, s19;
	[sflag:s13] =	ssyncset.done @!p0 $0x0  }
0x1b: {  	s22 =	sshrl.u32 s21, $0x1;
	s17 =	sadd.s32 $0x16800, s17;
	[sflag:s13] =	ssyncadd.s32 @!p0 $0xFFFFFC00  }
0x1c: {  	[hbm4b:s17+s10] =	stream.linear.scatter @!p0 [tilespmem:s16], [sflag:$0x3], $0x400, $0x38;
	[tilespmem:$0x4580] =	vst v63  }
0x1d: {  	s18 =	simm.s32 $0x1;
	s21 =	ssub.s32 s21, s22;
	_ =	swait.ge @!p0 [sflag:s12], $0x400  }
0x1e: {  	s20 =	sshll.u32 s20, $0xB;
	s31 =	smax.u32 s21, $0x1;
	[sflag:s12] =	ssyncset.done @!p0 $0x0  }
0x1f: {  	s19 =	sadd.s32 s20, s19;
	s20 =	sadd.s32 $0xFFFFFFFF, s31;
	[sflag:s12] =	ssyncadd.s32 @!p0 $0xFFFFFC00  }
0x20: {  	p1 =	sne.s32 s20, $0x0;
	_ =	swait.ge [sflag:s18], $0x4000  }
.Ltmp0:
0x21: {  	[sflag:s18] =	ssyncset.done $0x0;
	(pc) =	sbr.rel @!p1 .LBB2_2-.Ltmp0, $4  }
0x22: {  	s19 =	sadd.s32 $0x6800, s19;
	[sflag:s18] =	ssyncadd.s32 $0xFFFFC000  }
0x23: {  	[hbm4b:s19+s5] =	stream.linear.scatter [tilespmem:s9], [sflag:$0x3], $0x4000, $0x38;
	[tilespmem:$0x4580] =	vst v63  }
0x24: {  	_ =	swait.ge [sflag:s6], $0x4000  }
0x25: {  	[sflag:s6] =	ssyncset.done $0x0  }
.LBB2_1:
0x26: {  	s20 =	sadd.s32 $0xFFFFFFFF, s20;
	[sflag:s6] =	ssyncadd.s32 $0xFFFFC000  }
0x27: {  	[tilespmem:s5], [sflag:$0x3] =	stream.linear.gather [hbm4b:s7+s5], $0x80, $0x38;
	[tilespmem:$0x4580] =	vst v63  }
0x28: {  	p1 =	sne.s32 s20, $0x0;
	_ =	swait.ge [sflag:s6], $0x80  }
0x29: {  	[sflag:s6] =	ssyncset.done $0x0  }
0x2a: {  	[sflag:s6] =	ssyncadd.s32 $0xFFFFFF80  }
0x2b: {  	[tilespmem:s9], [sflag:$0x1] =	stream.indirect.gather [hbm4b:s1+s9], $0x80, s5, s9, $0xb8;
	[tilespmem:$0x4580] =	vst v63  }
0x2c: {  	_ = 	snop  }
0x2d: {  	[tilespmem:s11], [sflag:$0x3] =	stream.linear.gather @!p0 [hbm4b:s8+s10], $0x8, $0x38;
	[tilespmem:$0x4580] =	vst v63  }
0x2e: {  	_ =	swait.ge @!p0 [sflag:s12], $0x8  }
0x2f: {  	[sflag:s12] =	ssyncset.done @!p0 $0x0  }
0x30: {  	[sflag:s12] =	ssyncadd.s32 @!p0 $0xFFFFFFF8  }
0x31: {  	[tilespmem:s15], [sflag:$0x2] =	stream.indirect.gather @!p0 [hbm4b:s3+s14], $0x1, s11, s14, $0xb8;
	[tilespmem:$0x4580] =	vst v63  }
0x32: {  	_ =	swait.ge @!p0 [sflag:s13], $0x8  }
0x33: {  	[sflag:s13] =	ssyncset.done @!p0 $0x0  }
0x34: {  	[sflag:s13] =	ssyncadd.s32 @!p0 $0xFFFFFFF8  }
0x35: {  	[tilespmem:s16], [sflag:$0x2] =	stream.indirect.gather @!p0 [hbm4b:s4+s14], $0x80, s15, s14, $0xb8;
	[tilespmem:$0x4580] =	vst v63  }
0x36: {  	_ =	swait.ge @!p0 [sflag:s13], $0x400  }
0x37: {  	[sflag:s13] =	ssyncset.done @!p0 $0x0  }
0x38: {  	[sflag:s13] =	ssyncadd.s32 @!p0 $0xFFFFFC00  }
0x39: {  	[hbm4b:s17+s10] =	stream.linear.scatter @!p0 [tilespmem:s16], [sflag:$0x3], $0x400, $0x38;
	[tilespmem:$0x4580] =	vst v63  }
0x3a: {  	_ =	swait.ge @!p0 [sflag:s12], $0x400  }
0x3b: {  	[sflag:s12] =	ssyncset.done @!p0 $0x0  }
0x3c: {  	[sflag:s12] =	ssyncadd.s32 @!p0 $0xFFFFFC00  }
0x3d: {  	_ =	swait.ge [sflag:s18], $0x4000  }
.Ltmp1:
0x3e: {  	[sflag:s18] =	ssyncset.done $0x0;
	(pc) =	sbr.rel @p1 .LBB2_1-.Ltmp1, $4  }
0x3f: {  	[sflag:s18] =	ssyncadd.s32 $0xFFFFC000  }
0x40: {  	[hbm4b:s19+s5] =	stream.linear.scatter [tilespmem:s9], [sflag:$0x3], $0x4000, $0x38;
	[tilespmem:$0x4580] =	vst v63  }
0x41: {  	_ =	swait.ge [sflag:s6], $0x4000  }
0x42: {  	[sflag:s6] =	ssyncset.done $0x0  }
.LBB2_2:
0x43: {  	[sflag:s6] =	ssyncadd.s32 $0xFFFFC000  }
0x44: {  	_ =	sfence.sel $0x180000  }
0x45: {  	[bflag:$0x0] =	sbarrier.arrive $0xFFFF  }
0x46: {  	p0 =	sne.s32 s0, $0x0;
	_ =	strace $0x90000047  }
0x47: {  	s0 =	sadd.s32 @!p0 $0x100000, s2;
	[bflag:$0x2] =	sbarrier.arrive $0xFFFF  }
0x48: {  	[sflag:s0] =	ssyncadd.tile.s32 @!p0 $0x1;
	_ =	shalt  }
.Lfunc_end2:
_tile_overlayer_lowered:
.L_overlay_start_2:
0x49: {  	(tag) =	ssettag $0x2  }
0x4a: {  	s0 =	rddreg [dreg:$0x0];
	s2 =	stileid.u32  }
0x4b: {  	s1 =	rddreg [dreg:$0x1];
	p0 =	sne.s32 s2, $0x0  }
0x4c: {  	s3 =	rddreg [dreg:$0x2];
	[bflag:$0x3] =	sbarrier.arrive $0xFFFF;
	s2 =	simm.s32 @!p0 $0x1C03  }
0x4d: {  	[timem:s3], [sflag:s2] =	dma.local @!p0 [hbm:s0], s1  }
0x4e: {  	s0 =	simm.s32 @!p0 $0x3  }
0x4f: {  	_ =	swait.ge @!p0 [sflag:s0], s1  }
0x50: {  	s1 =	ssub.s32 @!p0 $0x0, s1;
	[sflag:s0] =	ssyncset.done @!p0 $0x0  }
0x51: {  	[sflag:s0] =	ssyncadd.s32 @!p0 s1  }
0x52: {  	[bflag:$0x3] =	sbarrier.arrive $0xFFFF  }
0x53: {  	_ =	shalt  }

</sc_bundles>
